<compile_context>
chip_gen: v7x
topology: tpu7x:2x2x1
jax: 0.10.2.dev20260603
libtpu: 0.0.44.dev20260713+nightly
codegen_flags: <defaults>
</compile_context>

<pallas_src>
import functools

import jax
import jax.numpy as jnp
from jax import lax
from jax.experimental import pallas as pl
from jax.experimental.pallas import tpu as pltpu
from jax.experimental.pallas import tpu_sc as plsc

NC = 2
NS = 16
NW = NC * NS
DCH = 128
CH = 64
NBUF = 4
BLK = 1280


def _sc_mesh():
  return plsc.VectorSubcoreMesh(
      core_axis_name="c", subcore_axis_name="s",
      num_cores=NC, num_subcores=NS)


def _make_deg_kernel(n_pad, e_pad):
  per_w = e_pad // NW
  n_chunks = per_w // DCH
  rows_per_s = n_pad // NS

  @functools.partial(
      pl.kernel,
      out_type=(jax.ShapeDtypeStruct((n_pad,), jnp.float32),
                jax.ShapeDtypeStruct((n_pad,), jnp.float32)),
      mesh=_sc_mesh(),
      scratch_types=[
          pltpu.VMEM_SHARED((n_pad,), jnp.float32),
          pltpu.VMEM((n_chunks, DCH), jnp.int32),
          pltpu.VMEM((DCH,), jnp.float32),
          pltpu.SemaphoreType.DMA,
      ],
  )
  def deg_kernel(dst_hbm, zeros_hbm, d0_hbm, d1_hbm,
                 deg_sh, dsts_v, ones_v, sem):
    c = lax.axis_index("c")
    sax = lax.axis_index("s")
    wid = c * NS + sax
    for j in range(DCH // 16):
      ones_v[pl.ds(j * 16, 16)] = jnp.ones((16,), jnp.float32)
    row0 = sax * rows_per_s
    zcp = pltpu.async_copy(zeros_hbm.at[pl.ds(row0, rows_per_s)],
                           deg_sh.at[pl.ds(row0, rows_per_s)], sem)
    icp = pltpu.async_copy(dst_hbm.at[wid], dsts_v, sem)
    zcp.wait()
    icp.wait()
    plsc.subcore_barrier()

    def fire(i, carry):
      pltpu.async_copy(ones_v, deg_sh.at[dsts_v.at[i]], sem, add=True)
      return carry

    lax.fori_loop(0, n_chunks, fire, 0)

    def drain(i, carry):
      pltpu.make_async_copy(zeros_hbm.at[pl.ds(0, DCH)], ones_v, sem).wait()
      return carry

    lax.fori_loop(0, n_chunks, drain, 0)
    plsc.subcore_barrier()

    @pl.when(c == 0)
    def _():
      pltpu.sync_copy(deg_sh.at[pl.ds(row0, rows_per_s)],
                      d0_hbm.at[pl.ds(row0, rows_per_s)])

    @pl.when(c == 1)
    def _():
      pltpu.sync_copy(deg_sh.at[pl.ds(row0, rows_per_s)],
                      d1_hbm.at[pl.ds(row0, rows_per_s)])

  return deg_kernel


def _make_edge_kernel(n_pad, e_pad, d):
  per_w = e_pad // NW
  n_chunks = per_w // CH
  n_rounds = n_chunks // NBUF
  rows_per_s = n_pad // NS

  @functools.partial(
      pl.kernel,
      out_type=(jax.ShapeDtypeStruct((n_pad, d), jnp.float32),
                jax.ShapeDtypeStruct((n_pad, d), jnp.float32)),
      mesh=_sc_mesh(),
      scratch_types=[
          pltpu.VMEM_SHARED((n_pad, d), jnp.float32),
          pltpu.VMEM((per_w,), jnp.int32),
      ] + [pltpu.VMEM((CH,), jnp.int32)] * NBUF
        + [pltpu.VMEM((CH, d), jnp.float32)] * NBUF
        + [pltpu.SemaphoreType.DMA] * (3 * NBUF),
  )
  def edge_kernel(h2_hbm, src_hbm, dst_hbm, p0_hbm, p1_hbm,
                  acc_sh, srcs_v, *bufs_and_sems):
    dstb = bufs_and_sems[:NBUF]
    rows = bufs_and_sems[NBUF:2 * NBUF]
    gsem = bufs_and_sems[2 * NBUF:3 * NBUF]
    ssem = bufs_and_sems[3 * NBUF:4 * NBUF]
    dsem = bufs_and_sems[4 * NBUF:]
    c = lax.axis_index("c")
    sax = lax.axis_index("s")
    wid = c * NS + sax
    row0 = sax * rows_per_s
    init_cp = pltpu.async_copy(h2_hbm.at[pl.ds(row0, rows_per_s)],
                               acc_sh.at[pl.ds(row0, rows_per_s)], gsem[0])
    src_cp = pltpu.async_copy(src_hbm.at[wid], srcs_v, gsem[1])
    init_cp.wait()
    src_cp.wait()
    plsc.subcore_barrier()

    dst_base = wid * n_chunks
    for b in range(NBUF):
      pltpu.async_copy(dst_hbm.at[dst_base + b], dstb[b], dsem[b])
      pltpu.async_copy(h2_hbm.at[srcs_v.at[pl.ds(b * CH, CH)]],
                       rows[b], gsem[b])

    def round_body(j, carry):
      for b in range(NBUF):
        pltpu.make_async_copy(dst_hbm.at[0], dstb[b], dsem[b]).wait()
        pltpu.make_async_copy(h2_hbm.at[pl.ds(0, CH)], rows[b],
                              gsem[b]).wait()
        pltpu.async_copy(rows[b], acc_sh.at[dstb[b]], ssem[b], add=True)
      for b in range(NBUF):
        nxt = NBUF * (j + 1) + b
        pltpu.make_async_copy(h2_hbm.at[pl.ds(0, CH)], rows[b],
                              ssem[b]).wait()

        @pl.when(nxt < n_chunks)
        def _():
          pltpu.async_copy(dst_hbm.at[dst_base + nxt], dstb[b], dsem[b])
          pltpu.async_copy(h2_hbm.at[srcs_v.at[pl.ds(nxt * CH, CH)]],
                           rows[b], gsem[b])

      return carry

    lax.fori_loop(0, n_rounds, round_body, 0)
    plsc.subcore_barrier()

    @pl.when(c == 0)
    def _():
      pltpu.sync_copy(acc_sh.at[pl.ds(row0, rows_per_s)],
                      p0_hbm.at[pl.ds(row0, rows_per_s)])

    @pl.when(c == 1)
    def _():
      pltpu.sync_copy(acc_sh.at[pl.ds(row0, rows_per_s)],
                      p1_hbm.at[pl.ds(row0, rows_per_s)])

  return edge_kernel


def _prescale_body(x_ref, w_ref, d0_ref, d1_ref, h2_ref):
  dis = lax.rsqrt(1.0 + d0_ref[...] + d1_ref[...])
  h2_ref[...] = jnp.dot(x_ref[...] * dis, w_ref[...],
                        preferred_element_type=jnp.float32)


def _finalize_body(p0_ref, p1_ref, h2_ref, x_ref, d0_ref, d1_ref,
                   b_ref, g_ref, be_ref, o_ref):
  dis = lax.rsqrt(1.0 + d0_ref[...] + d1_ref[...])
  acc = p0_ref[...] + p1_ref[...] - h2_ref[...]
  out = acc * dis + b_ref[...]
  mu = jnp.mean(out, axis=-1, keepdims=True)
  var = jnp.mean((out - mu) ** 2, axis=-1, keepdims=True)
  ln = (out - mu) * lax.rsqrt(var + 1e-5) * g_ref[...] + be_ref[...]
  o_ref[...] = jnp.maximum(ln + x_ref[...], 0.0)


def kernel(x, edge_index, W, b, gamma, beta):
  n, d = x.shape
  e = edge_index.shape[1]
  n_pad = ((n + BLK) // BLK) * BLK
  egrain = NW * max(CH * NBUF, DCH)
  e_pad = ((e + egrain - 1) // egrain) * egrain
  per_w = e_pad // NW
  n_chunks = per_w // CH

  src = edge_index[0].astype(jnp.int32)
  dst = edge_index[1].astype(jnp.int32)
  pad_idx = n + (jnp.arange(e_pad - e, dtype=jnp.int32) % (n_pad - n))
  src2 = jnp.concatenate([src, pad_idx]).reshape(NW, per_w)
  dst_flat = jnp.concatenate([dst, pad_idx])
  dst2 = dst_flat.reshape(NW * n_chunks, CH)
  dst_deg = dst_flat.reshape(NW, per_w // DCH, DCH)
  x_pad = jnp.concatenate([x, jnp.zeros((n_pad - n, d), jnp.float32)])

  d0, d1 = _make_deg_kernel(n_pad, e_pad)(
      dst_deg, jnp.zeros((n_pad,), jnp.float32))
  d0c = d0.reshape(n_pad, 1)
  d1c = d1.reshape(n_pad, 1)

  grid = (n_pad // BLK,)
  row_spec = pl.BlockSpec((BLK, d), lambda i: (i, 0))
  col_spec = pl.BlockSpec((BLK, 1), lambda i: (i, 0))
  vec_spec = pl.BlockSpec((1, d), lambda i: (0, 0))

  h2 = pl.pallas_call(
      _prescale_body,
      grid=grid,
      in_specs=[row_spec, pl.BlockSpec((d, d), lambda i: (0, 0)),
                col_spec, col_spec],
      out_specs=row_spec,
      out_shape=jax.ShapeDtypeStruct((n_pad, d), jnp.float32),
  )(x_pad, W, d0c, d1c)

  p0, p1 = _make_edge_kernel(n_pad, e_pad, d)(h2, src2, dst2)

  out_pad = pl.pallas_call(
      _finalize_body,
      grid=grid,
      in_specs=[row_spec, row_spec, row_spec, row_spec, col_spec, col_spec,
                vec_spec, vec_spec, vec_spec],
      out_specs=row_spec,
      out_shape=jax.ShapeDtypeStruct((n_pad, d), jnp.float32),
  )(p0, p1, h2, x_pad, d0c, d1c,
    b.reshape(1, d), gamma.reshape(1, d), beta.reshape(1, d))

  return out_pad[:n]

# --- scband reference (transcript-rebuilt; emitter-appended) ---
"""Pipeline reference for scband-residual-gcnlayer-28733331210795 (READ-ONLY COPY).

The authoritative reference and input builder live on the scoring server;
editing this copy changes nothing except your own understanding.
"""

import jax, jax.numpy as jnp
import numpy as np

N = 10000
E = 320000
D = 128

def setup_inputs(seed: int = 0) -> dict:
    key = jax.random.key(seed)
    k1, k2, k3, k4 = jax.random.split(key, 4)
    x = jax.random.normal(k1, (N, D), dtype=jnp.float32)
    edge_index = jax.random.randint(k2, (2, E), 0, N, dtype=jnp.int32).astype(jnp.int64)
    # GCNConv linear weight (in_channels x out_channels) and bias
    W = jax.random.normal(k3, (D, D), dtype=jnp.float32) * (1.0 / np.sqrt(D))
    b = jax.random.normal(k4, (D,), dtype=jnp.float32) * 0.01
    # LayerNorm params
    gamma = jnp.ones((D,), dtype=jnp.float32)
    beta = jnp.zeros((D,), dtype=jnp.float32)
    return {"x": x, "edge_index": edge_index, "W": W, "b": b, "gamma": gamma, "beta": beta}

def reference(x, edge_index, W, b, gamma, beta):
    n = x.shape[0]
    # --- GCNConv with symmetric normalization and self-loops (PyG semantics) ---
    loop = jnp.arange(n, dtype=edge_index.dtype)
    src = jnp.concatenate([edge_index[0], loop])
    dst = jnp.concatenate([edge_index[1], loop])
    ones = jnp.ones_like(dst, dtype=jnp.float32)
    deg = jax.ops.segment_sum(ones, dst, num_segments=n)
    deg_inv_sqrt = jnp.where(deg > 0, 1.0 / jnp.sqrt(deg), 0.0)
    norm = deg_inv_sqrt[src] * deg_inv_sqrt[dst]
    h = x @ W
    msg = h[src] * norm[:, None]
    out = jax.ops.segment_sum(msg, dst, num_segments=n) + b
    # --- LayerNorm ---
    mu = jnp.mean(out, axis=-1, keepdims=True)
    var = jnp.mean((out - mu) ** 2, axis=-1, keepdims=True)
    ln = (out - mu) / jnp.sqrt(var + 1e-5) * gamma + beta
    # --- residual + ReLU ---
    return jax.nn.relu(ln + x)

if __name__ == "__main__":
    import jax
    _d = setup_inputs()
    print(jax.jit(kernel)(*tuple(_d.values())))

</pallas_src>

<mosaic_0001>
#map = affine_map<(d0, d1) -> (0, 0, 0)>
#map1 = affine_map<(d0, d1) -> (0)>
module attributes {stable_mosaic.version = 14 : i64} {
  func.func @deg_kernel(%arg0: i32, %arg1: i32, %arg2: memref<32x80x128xi32, #tpu.memory_space<hbm>>, %arg3: memref<10240xf32, #tpu.memory_space<hbm>>, %arg4: memref<10240xf32, #tpu.memory_space<hbm>>, %arg5: memref<10240xf32, #tpu.memory_space<hbm>>, %arg6: memref<10240xf32, #tpu.memory_space<vmem_shared>>, %arg7: memref<80x128xi32, #tpu.memory_space<vmem>>, %arg8: memref<128xf32, #tpu.memory_space<vmem>>, %arg9: memref<!tpu.dma_semaphore, #tpu.memory_space<semaphore_mem>>) attributes {dimension_semantics = [#tpu.dimension_semantics<core_parallel>, #tpu.dimension_semantics<subcore_parallel>], iteration_bounds = array<i64: 2, 16>, scalar_prefetch = 0 : i64, scratch_operands = 4 : i64, tpu.core_type = #tpu.core_type<sc_vector_subcore>, window_params = [{transform_indices = #map}, {transform_indices = #map1}, {transform_indices = #map1}, {transform_indices = #map1}]} {
    %mul3A = arith.constant 16 : i32
    %mul3A_0 = arith.muli %arg0, %mul3A : i32
    %add3A = arith.addi %mul3A_0, %arg1 : i32
    %broadcast_in_dim3A = arith.constant 1.000000e+00 : f32
    %broadcast_in_dim3A_1 = vector.broadcast %broadcast_in_dim3A : f32 to vector<16xf32>
    %swap3A = arith.constant 0 : index
    %swap3A_2 = tpu.vector_load %arg8[%swap3A] {strides = array<i32>} : memref<128xf32, #tpu.memory_space<vmem>>, vector<16xf32>,
    %swap3A_3 = vector.shape_cast %swap3A_2 : vector<16xf32> to vector<16xf32>
    %swap3A_4 = vector.shape_cast %broadcast_in_dim3A_1 : vector<16xf32> to vector<16xf32>
    tpu.vector_store %arg8[%swap3A], %swap3A_4 {strides = array<i32>} : memref<128xf32, #tpu.memory_space<vmem>>, vector<16xf32>,
    %broadcast_in_dim3A_5 = arith.constant 1.000000e+00 : f32
    %broadcast_in_dim3A_6 = vector.broadcast %broadcast_in_dim3A_5 : f32 to vector<16xf32>
    %swap3A_7 = arith.constant 16 : index
    %swap3A_8 = tpu.vector_load %arg8[%swap3A_7] {strides = array<i32>} : memref<128xf32, #tpu.memory_space<vmem>>, vector<16xf32>,
    %swap3A_9 = vector.shape_cast %swap3A_8 : vector<16xf32> to vector<16xf32>
    %swap3A_10 = vector.shape_cast %broadcast_in_dim3A_6 : vector<16xf32> to vector<16xf32>
    tpu.vector_store %arg8[%swap3A_7], %swap3A_10 {strides = array<i32>} : memref<128xf32, #tpu.memory_space<vmem>>, vector<16xf32>,
    %broadcast_in_dim3A_11 = arith.constant 1.000000e+00 : f32
    %broadcast_in_dim3A_12 = vector.broadcast %broadcast_in_dim3A_11 : f32 to vector<16xf32>
    %swap3A_13 = arith.constant 32 : index
    %swap3A_14 = tpu.vector_load %arg8[%swap3A_13] {strides = array<i32>} : memref<128xf32, #tpu.memory_space<vmem>>, vector<16xf32>,
    %swap3A_15 = vector.shape_cast %swap3A_14 : vector<16xf32> to vector<16xf32>
    %swap3A_16 = vector.shape_cast %broadcast_in_dim3A_12 : vector<16xf32> to vector<16xf32>
    tpu.vector_store %arg8[%swap3A_13], %swap3A_16 {strides = array<i32>} : memref<128xf32, #tpu.memory_space<vmem>>, vector<16xf32>,
    %broadcast_in_dim3A_17 = arith.constant 1.000000e+00 : f32
    %broadcast_in_dim3A_18 = vector.broadcast %broadcast_in_dim3A_17 : f32 to vector<16xf32>
    %swap3A_19 = arith.constant 48 : index
    %swap3A_20 = tpu.vector_load %arg8[%swap3A_19] {strides = array<i32>} : memref<128xf32, #tpu.memory_space<vmem>>, vector<16xf32>,
    %swap3A_21 = vector.shape_cast %swap3A_20 : vector<16xf32> to vector<16xf32>
    %swap3A_22 = vector.shape_cast %broadcast_in_dim3A_18 : vector<16xf32> to vector<16xf32>
    tpu.vector_store %arg8[%swap3A_19], %swap3A_22 {strides = array<i32>} : memref<128xf32, #tpu.memory_space<vmem>>, vector<16xf32>,
    %broadcast_in_dim3A_23 = arith.constant 1.000000e+00 : f32
    %broadcast_in_dim3A_24 = vector.broadcast %broadcast_in_dim3A_23 : f32 to vector<16xf32>
    %swap3A_25 = arith.constant 64 : index
    %swap3A_26 = tpu.vector_load %arg8[%swap3A_25] {strides = array<i32>} : memref<128xf32, #tpu.memory_space<vmem>>, vector<16xf32>,
    %swap3A_27 = vector.shape_cast %swap3A_26 : vector<16xf32> to vector<16xf32>
    %swap3A_28 = vector.shape_cast %broadcast_in_dim3A_24 : vector<16xf32> to vector<16xf32>
    tpu.vector_store %arg8[%swap3A_25], %swap3A_28 {strides = array<i32>} : memref<128xf32, #tpu.memory_space<vmem>>, vector<16xf32>,
    %broadcast_in_dim3A_29 = arith.constant 1.000000e+00 : f32
    %broadcast_in_dim3A_30 = vector.broadcast %broadcast_in_dim3A_29 : f32 to vector<16xf32>
    %swap3A_31 = arith.constant 80 : index
    %swap3A_32 = tpu.vector_load %arg8[%swap3A_31] {strides = array<i32>} : memref<128xf32, #tpu.memory_space<vmem>>, vector<16xf32>,
    %swap3A_33 = vector.shape_cast %swap3A_32 : vector<16xf32> to vector<16xf32>
    %swap3A_34 = vector.shape_cast %broadcast_in_dim3A_30 : vector<16xf32> to vector<16xf32>
    tpu.vector_store %arg8[%swap3A_31], %swap3A_34 {strides = array<i32>} : memref<128xf32, #tpu.memory_space<vmem>>, vector<16xf32>,
    %broadcast_in_dim3A_35 = arith.constant 1.000000e+00 : f32
    %broadcast_in_dim3A_36 = vector.broadcast %broadcast_in_dim3A_35 : f32 to vector<16xf32>
    %swap3A_37 = arith.constant 96 : index
    %swap3A_38 = tpu.vector_load %arg8[%swap3A_37] {strides = array<i32>} : memref<128xf32, #tpu.memory_space<vmem>>, vector<16xf32>,
    %swap3A_39 = vector.shape_cast %swap3A_38 : vector<16xf32> to vector<16xf32>
    %swap3A_40 = vector.shape_cast %broadcast_in_dim3A_36 : vector<16xf32> to vector<16xf32>
    tpu.vector_store %arg8[%swap3A_37], %swap3A_40 {strides = array<i32>} : memref<128xf32, #tpu.memory_space<vmem>>, vector<16xf32>,
    %broadcast_in_dim3A_41 = arith.constant 1.000000e+00 : f32
    %broadcast_in_dim3A_42 = vector.broadcast %broadcast_in_dim3A_41 : f32 to vector<16xf32>
    %swap3A_43 = arith.constant 112 : index
    %swap3A_44 = tpu.vector_load %arg8[%swap3A_43] {strides = array<i32>} : memref<128xf32, #tpu.memory_space<vmem>>, vector<16xf32>,
    %swap3A_45 = vector.shape_cast %swap3A_44 : vector<16xf32> to vector<16xf32>
    %swap3A_46 = vector.shape_cast %broadcast_in_dim3A_42 : vector<16xf32> to vector<16xf32>
    tpu.vector_store %arg8[%swap3A_43], %swap3A_46 {strides = array<i32>} : memref<128xf32, #tpu.memory_space<vmem>>, vector<16xf32>,
    %mul3A_47 = arith.constant 640 : i32
    %mul3A_48 = arith.muli %arg1, %mul3A_47 : i32
    %dma_start3A = tpu.memref_slice %arg6[%mul3A_48] : memref<10240xf32, #tpu.memory_space<vmem_shared>> -> memref<640xf32, #tpu.memory_space<vmem_shared>>
    %dma_start3A_49 = tpu.memref_slice %arg3[%mul3A_48] : memref<10240xf32, #tpu.memory_space<hbm>> -> memref<640xf32, #tpu.memory_space<hbm>>
    tpu.enqueue_dma source(%dma_start3A_49 : memref<640xf32, #tpu.memory_space<hbm>>) target(%dma_start3A : memref<640xf32, #tpu.memory_space<vmem_shared>>) target_semaphore(%arg9 : memref<!tpu.dma_semaphore, #tpu.memory_space<semaphore_mem>>)
    %dma_start3A_50 = arith.constant 0 : i32
    %dma_start3A_51 = arith.constant 0 : i32
    %dma_start3A_52 = tpu.memref_slice %arg2[%add3A, %dma_start3A_50, %dma_start3A_51] : memref<32x80x128xi32, #tpu.memory_space<hbm>> -> memref<1x80x128xi32, #tpu.memory_space<hbm>>
    %dma_start3A_53 = tpu.memref_squeeze %dma_start3A_52 : memref<1x80x128xi32, #tpu.memory_space<hbm>> -> memref<80x128xi32, #tpu.memory_space<hbm>>
    %dma_start3A_54 = arith.constant 0 : i32
    %dma_start3A_55 = arith.constant 0 : i32
    %dma_start3A_56 = tpu.memref_slice %arg2[%add3A, %dma_start3A_54, %dma_start3A_55] : memref<32x80x128xi32, #tpu.memory_space<hbm>> -> memref<1x80x128xi32, #tpu.memory_space<hbm>>
    %dma_start3A_57 = tpu.memref_squeeze %dma_start3A_56 : memref<1x80x128xi32, #tpu.memory_space<hbm>> -> memref<80x128xi32, #tpu.memory_space<hbm>>
    tpu.enqueue_dma source(%dma_start3A_57 : memref<80x128xi32, #tpu.memory_space<hbm>>) target(%arg7 : memref<80x128xi32, #tpu.memory_space<vmem>>) target_semaphore(%arg9 : memref<!tpu.dma_semaphore, #tpu.memory_space<semaphore_mem>>)
    %dma_wait3A = tpu.memref_slice %arg6[%mul3A_48] : memref<10240xf32, #tpu.memory_space<vmem_shared>> -> memref<640xf32, #tpu.memory_space<vmem_shared>>
    %dma_wait3A_58 = tpu.memref_slice %arg3[%mul3A_48] : memref<10240xf32, #tpu.memory_space<hbm>> -> memref<640xf32, #tpu.memory_space<hbm>>
    tpu.wait_dma2 semaphore(%arg9 : memref<!tpu.dma_semaphore, #tpu.memory_space<semaphore_mem>>) src(%dma_wait3A_58 : memref<640xf32, #tpu.memory_space<hbm>>) dst(%dma_wait3A : memref<640xf32, #tpu.memory_space<vmem_shared>>)
    %dma_wait3A_59 = arith.constant 0 : i32
    %dma_wait3A_60 = arith.constant 0 : i32
    %dma_wait3A_61 = tpu.memref_slice %arg2[%add3A, %dma_wait3A_59, %dma_wait3A_60] : memref<32x80x128xi32, #tpu.memory_space<hbm>> -> memref<1x80x128xi32, #tpu.memory_space<hbm>>
    %dma_wait3A_62 = tpu.memref_squeeze %dma_wait3A_61 : memref<1x80x128xi32, #tpu.memory_space<hbm>> -> memref<80x128xi32, #tpu.memory_space<hbm>>
    %dma_wait3A_63 = arith.constant 0 : i32
    %dma_wait3A_64 = arith.constant 0 : i32
    %dma_wait3A_65 = tpu.memref_slice %arg2[%add3A, %dma_wait3A_63, %dma_wait3A_64] : memref<32x80x128xi32, #tpu.memory_space<hbm>> -> memref<1x80x128xi32, #tpu.memory_space<hbm>>
    %dma_wait3A_66 = tpu.memref_squeeze %dma_wait3A_65 : memref<1x80x128xi32, #tpu.memory_space<hbm>> -> memref<80x128xi32, #tpu.memory_space<hbm>>
    tpu.wait_dma2 semaphore(%arg9 : memref<!tpu.dma_semaphore, #tpu.memory_space<semaphore_mem>>) src(%dma_wait3A_66 : memref<80x128xi32, #tpu.memory_space<hbm>>) dst(%arg7 : memref<80x128xi32, #tpu.memory_space<vmem>>)
    %barrier3A = arith.constant 0 : index
    tpu.barrier barrier_id(%barrier3A)
    %scan3A = arith.constant 0 : i32
    %scan3A_67 = arith.constant 0 : i32
    %scan3A_68 = arith.constant 80 : i32
    %scan3A_69 = arith.addi %scan3A_67, %scan3A_68 : i32
    %scan3A_70 = arith.constant 1 : i32
    scf.for %scan3A_86 = %scan3A_67 to %scan3A_69 step %scan3A_70  : i32 {
      %dma_start3A_87 = arith.constant 0 : i32
      %dma_start3A_88 = tpu.memref_slice %arg7[%scan3A_86, %dma_start3A_87] : memref<80x128xi32, #tpu.memory_space<vmem>> -> memref<1x128xi32, #tpu.memory_space<vmem>>
      %dma_start3A_89 = tpu.memref_squeeze %dma_start3A_88 : memref<1x128xi32, #tpu.memory_space<vmem>> -> memref<128xi32, #tpu.memory_space<vmem>>
      %dma_start3A_90 = arith.constant 0 : i32
      %dma_start3A_91 = tpu.memref_slice %arg6[%dma_start3A_90] : memref<10240xf32, #tpu.memory_space<vmem_shared>> -> memref<10240xf32, #tpu.memory_space<vmem_shared>>
      tpu.enqueue_indirect_dma source(%arg8 : memref<128xf32, #tpu.memory_space<vmem>>) target(%dma_start3A_91 : memref<10240xf32, #tpu.memory_space<vmem_shared>>) offsets(%dma_start3A_89 : memref<128xi32, #tpu.memory_space<vmem>>) semaphore(%arg9 : memref<!tpu.dma_semaphore, #tpu.memory_space<semaphore_mem>>) {add = true}
    }
    %scan3A_71 = arith.constant 80 : i32
    %scan3A_72 = arith.constant 0 : i32
    %scan3A_73 = arith.constant 0 : i32
    %scan3A_74 = arith.constant 80 : i32
    %scan3A_75 = arith.addi %scan3A_73, %scan3A_74 : i32
    %scan3A_76 = arith.constant 1 : i32
    scf.for %scan3A_86 = %scan3A_73 to %scan3A_75 step %scan3A_76  : i32 {
      %dma_wait3A_87 = arith.constant 0 : i32
      %dma_wait3A_88 = tpu.memref_slice %arg3[%dma_wait3A_87] : memref<10240xf32, #tpu.memory_space<hbm>> -> memref<128xf32, #tpu.memory_space<hbm>>
      %dma_wait3A_89 = arith.constant 0 : i32
      %dma_wait3A_90 = tpu.memref_slice %arg3[%dma_wait3A_89] : memref<10240xf32, #tpu.memory_space<hbm>> -> memref<128xf32, #tpu.memory_space<hbm>>
      tpu.wait_dma2 semaphore(%arg9 : memref<!tpu.dma_semaphore, #tpu.memory_space<semaphore_mem>>) src(%dma_wait3A_90 : memref<128xf32, #tpu.memory_space<hbm>>) dst(%arg8 : memref<128xf32, #tpu.memory_space<vmem>>)
    }
    %scan3A_77 = arith.constant 80 : i32
    %barrier3A_78 = arith.constant 0 : index
    tpu.barrier barrier_id(%barrier3A_78)
    %eq3A = arith.constant 0 : i32
    %eq3A_79 = arith.cmpi eq, %arg0, %eq3A : i32
    %convert_element_type3A = arith.extui %eq3A_79 : i1 to i32
    %cond3A = arith.constant 0 : i32
    %cond3A_80 = arith.cmpi ne, %convert_element_type3A, %cond3A : i32
    scf.if %cond3A_80 {
      "tpu.region"() ({
        %run_scoped3A = tpu.sem_alloc : memref<!tpu.dma_semaphore, #tpu.memory_space<semaphore_mem>>
        %dma_start3A_86 = tpu.memref_slice %arg4[%mul3A_48] : memref<10240xf32, #tpu.memory_space<hbm>> -> memref<640xf32, #tpu.memory_space<hbm>>
        %dma_start3A_87 = tpu.memref_slice %arg6[%mul3A_48] : memref<10240xf32, #tpu.memory_space<vmem_shared>> -> memref<640xf32, #tpu.memory_space<vmem_shared>>
        tpu.enqueue_dma source(%dma_start3A_87 : memref<640xf32, #tpu.memory_space<vmem_shared>>) target(%dma_start3A_86 : memref<640xf32, #tpu.memory_space<hbm>>) target_semaphore(%run_scoped3A : memref<!tpu.dma_semaphore, #tpu.memory_space<semaphore_mem>>)
        %dma_wait3A_88 = tpu.memref_slice %arg4[%mul3A_48] : memref<10240xf32, #tpu.memory_space<hbm>> -> memref<640xf32, #tpu.memory_space<hbm>>
        %dma_wait3A_89 = tpu.memref_slice %arg6[%mul3A_48] : memref<10240xf32, #tpu.memory_space<vmem_shared>> -> memref<640xf32, #tpu.memory_space<vmem_shared>>
        tpu.wait_dma2 semaphore(%run_scoped3A : memref<!tpu.dma_semaphore, #tpu.memory_space<semaphore_mem>>) src(%dma_wait3A_89 : memref<640xf32, #tpu.memory_space<vmem_shared>>) dst(%dma_wait3A_88 : memref<640xf32, #tpu.memory_space<hbm>>)
        tpu.yield
      }) : () -> ()
    } else {
    }
    %eq3A_81 = arith.constant 1 : i32
    %eq3A_82 = arith.cmpi eq, %arg0, %eq3A_81 : i32
    %convert_element_type3A_83 = arith.extui %eq3A_82 : i1 to i32
    %cond3A_84 = arith.constant 0 : i32
    %cond3A_85 = arith.cmpi ne, %convert_element_type3A_83, %cond3A_84 : i32
    scf.if %cond3A_85 {
      "tpu.region"() ({
        %run_scoped3A = tpu.sem_alloc : memref<!tpu.dma_semaphore, #tpu.memory_space<semaphore_mem>>
        %dma_start3A_86 = tpu.memref_slice %arg5[%mul3A_48] : memref<10240xf32, #tpu.memory_space<hbm>> -> memref<640xf32, #tpu.memory_space<hbm>>
        %dma_start3A_87 = tpu.memref_slice %arg6[%mul3A_48] : memref<10240xf32, #tpu.memory_space<vmem_shared>> -> memref<640xf32, #tpu.memory_space<vmem_shared>>
        tpu.enqueue_dma source(%dma_start3A_87 : memref<640xf32, #tpu.memory_space<vmem_shared>>) target(%dma_start3A_86 : memref<640xf32, #tpu.memory_space<hbm>>) target_semaphore(%run_scoped3A : memref<!tpu.dma_semaphore, #tpu.memory_space<semaphore_mem>>)
        %dma_wait3A_88 = tpu.memref_slice %arg5[%mul3A_48] : memref<10240xf32, #tpu.memory_space<hbm>> -> memref<640xf32, #tpu.memory_space<hbm>>
        %dma_wait3A_89 = tpu.memref_slice %arg6[%mul3A_48] : memref<10240xf32, #tpu.memory_space<vmem_shared>> -> memref<640xf32, #tpu.memory_space<vmem_shared>>
        tpu.wait_dma2 semaphore(%run_scoped3A : memref<!tpu.dma_semaphore, #tpu.memory_space<semaphore_mem>>) src(%dma_wait3A_89 : memref<640xf32, #tpu.memory_space<vmem_shared>>) dst(%dma_wait3A_88 : memref<640xf32, #tpu.memory_space<hbm>>)
        tpu.yield
      }) : () -> ()
    } else {
    }
    return
  }
}

#map = affine_map<(d0, d1) -> (0, 0)>
module attributes {stable_mosaic.version = 14 : i64} {
  func.func @edge_kernel(%arg0: i32, %arg1: i32, %arg2: memref<10240x128xf32, #tpu.memory_space<hbm>>, %arg3: memref<32x10240xi32, #tpu.memory_space<hbm>>, %arg4: memref<5120x64xi32, #tpu.memory_space<hbm>>, %arg5: memref<10240x128xf32, #tpu.memory_space<hbm>>, %arg6: memref<10240x128xf32, #tpu.memory_space<hbm>>, %arg7: memref<10240x128xf32, #tpu.memory_space<vmem_shared>>, %arg8: memref<10240xi32, #tpu.memory_space<vmem>>, %arg9: memref<64xi32, #tpu.memory_space<vmem>>, %arg10: memref<64xi32, #tpu.memory_space<vmem>>, %arg11: memref<64xi32, #tpu.memory_space<vmem>>, %arg12: memref<64xi32, #tpu.memory_space<vmem>>, %arg13: memref<64x128xf32, #tpu.memory_space<vmem>>, %arg14: memref<64x128xf32, #tpu.memory_space<vmem>>, %arg15: memref<64x128xf32, #tpu.memory_space<vmem>>, %arg16: memref<64x128xf32, #tpu.memory_space<vmem>>, %arg17: memref<!tpu.dma_semaphore, #tpu.memory_space<semaphore_mem>>, %arg18: memref<!tpu.dma_semaphore, #tpu.memory_space<semaphore_mem>>, %arg19: memref<!tpu.dma_semaphore, #tpu.memory_space<semaphore_mem>>, %arg20: memref<!tpu.dma_semaphore, #tpu.memory_space<semaphore_mem>>, %arg21: memref<!tpu.dma_semaphore, #tpu.memory_space<semaphore_mem>>, %arg22: memref<!tpu.dma_semaphore, #tpu.memory_space<semaphore_mem>>, %arg23: memref<!tpu.dma_semaphore, #tpu.memory_space<semaphore_mem>>, %arg24: memref<!tpu.dma_semaphore, #tpu.memory_space<semaphore_mem>>, %arg25: memref<!tpu.dma_semaphore, #tpu.memory_space<semaphore_mem>>, %arg26: memref<!tpu.dma_semaphore, #tpu.memory_space<semaphore_mem>>, %arg27: memref<!tpu.dma_semaphore, #tpu.memory_space<semaphore_mem>>, %arg28: memref<!tpu.dma_semaphore, #tpu.memory_space<semaphore_mem>>) attributes {dimension_semantics = [#tpu.dimension_semantics<core_parallel>, #tpu.dimension_semantics<subcore_parallel>], iteration_bounds = array<i64: 2, 16>, scalar_prefetch = 0 : i64, scratch_operands = 22 : i64, tpu.core_type = #tpu.core_type<sc_vector_subcore>, window_params = [{transform_indices = #map}, {transform_indices = #map}, {transform_indices = #map}, {transform_indices = #map}, {transform_indices = #map}]} {
    %mul3A = arith.constant 16 : i32
    %mul3A_0 = arith.muli %arg0, %mul3A : i32
    %add3A = arith.addi %mul3A_0, %arg1 : i32
    %mul3A_1 = arith.constant 640 : i32
    %mul3A_2 = arith.muli %arg1, %mul3A_1 : i32
    %dma_start3A = arith.constant 0 : i32
    %dma_start3A_3 = tpu.memref_slice %arg7[%mul3A_2, %dma_start3A] : memref<10240x128xf32, #tpu.memory_space<vmem_shared>> -> memref<640x128xf32, #tpu.memory_space<vmem_shared>>
    %dma_start3A_4 = arith.constant 0 : i32
    %dma_start3A_5 = tpu.memref_slice %arg2[%mul3A_2, %dma_start3A_4] : memref<10240x128xf32, #tpu.memory_space<hbm>> -> memref<640x128xf32, #tpu.memory_space<hbm>>
    tpu.enqueue_dma source(%dma_start3A_5 : memref<640x128xf32, #tpu.memory_space<hbm>>) target(%dma_start3A_3 : memref<640x128xf32, #tpu.memory_space<vmem_shared>>) target_semaphore(%arg17 : memref<!tpu.dma_semaphore, #tpu.memory_space<semaphore_mem>>)
    %dma_start3A_6 = arith.constant 0 : i32
    %dma_start3A_7 = tpu.memref_slice %arg3[%add3A, %dma_start3A_6] : memref<32x10240xi32, #tpu.memory_space<hbm>> -> memref<1x10240xi32, #tpu.memory_space<hbm>>
    %dma_start3A_8 = tpu.memref_squeeze %dma_start3A_7 : memref<1x10240xi32, #tpu.memory_space<hbm>> -> memref<10240xi32, #tpu.memory_space<hbm>>
    %dma_start3A_9 = arith.constant 0 : i32
    %dma_start3A_10 = tpu.memref_slice %arg3[%add3A, %dma_start3A_9] : memref<32x10240xi32, #tpu.memory_space<hbm>> -> memref<1x10240xi32, #tpu.memory_space<hbm>>
    %dma_start3A_11 = tpu.memref_squeeze %dma_start3A_10 : memref<1x10240xi32, #tpu.memory_space<hbm>> -> memref<10240xi32, #tpu.memory_space<hbm>>
    tpu.enqueue_dma source(%dma_start3A_11 : memref<10240xi32, #tpu.memory_space<hbm>>) target(%arg8 : memref<10240xi32, #tpu.memory_space<vmem>>) target_semaphore(%arg18 : memref<!tpu.dma_semaphore, #tpu.memory_space<semaphore_mem>>)
    %dma_wait3A = arith.constant 0 : i32
    %dma_wait3A_12 = tpu.memref_slice %arg7[%mul3A_2, %dma_wait3A] : memref<10240x128xf32, #tpu.memory_space<vmem_shared>> -> memref<640x128xf32, #tpu.memory_space<vmem_shared>>
    %dma_wait3A_13 = arith.constant 0 : i32
    %dma_wait3A_14 = tpu.memref_slice %arg2[%mul3A_2, %dma_wait3A_13] : memref<10240x128xf32, #tpu.memory_space<hbm>> -> memref<640x128xf32, #tpu.memory_space<hbm>>
    tpu.wait_dma2 semaphore(%arg17 : memref<!tpu.dma_semaphore, #tpu.memory_space<semaphore_mem>>) src(%dma_wait3A_14 : memref<640x128xf32, #tpu.memory_space<hbm>>) dst(%dma_wait3A_12 : memref<640x128xf32, #tpu.memory_space<vmem_shared>>)
    %dma_wait3A_15 = arith.constant 0 : i32
    %dma_wait3A_16 = tpu.memref_slice %arg3[%add3A, %dma_wait3A_15] : memref<32x10240xi32, #tpu.memory_space<hbm>> -> memref<1x10240xi32, #tpu.memory_space<hbm>>
    %dma_wait3A_17 = tpu.memref_squeeze %dma_wait3A_16 : memref<1x10240xi32, #tpu.memory_space<hbm>> -> memref<10240xi32, #tpu.memory_space<hbm>>
    %dma_wait3A_18 = arith.constant 0 : i32
    %dma_wait3A_19 = tpu.memref_slice %arg3[%add3A, %dma_wait3A_18] : memref<32x10240xi32, #tpu.memory_space<hbm>> -> memref<1x10240xi32, #tpu.memory_space<hbm>>
    %dma_wait3A_20 = tpu.memref_squeeze %dma_wait3A_19 : memref<1x10240xi32, #tpu.memory_space<hbm>> -> memref<10240xi32, #tpu.memory_space<hbm>>
    tpu.wait_dma2 semaphore(%arg18 : memref<!tpu.dma_semaphore, #tpu.memory_space<semaphore_mem>>) src(%dma_wait3A_20 : memref<10240xi32, #tpu.memory_space<hbm>>) dst(%arg8 : memref<10240xi32, #tpu.memory_space<vmem>>)
    %barrier3A = arith.constant 0 : index
    tpu.barrier barrier_id(%barrier3A)
    %mul3A_21 = arith.constant 160 : i32
    %mul3A_22 = arith.muli %add3A, %mul3A_21 : i32
    %add3A_23 = arith.constant 0 : i32
    %add3A_24 = arith.addi %mul3A_22, %add3A_23 : i32
    %dma_start3A_25 = arith.constant 0 : i32
    %dma_start3A_26 = tpu.memref_slice %arg4[%add3A_24, %dma_start3A_25] : memref<5120x64xi32, #tpu.memory_space<hbm>> -> memref<1x64xi32, #tpu.memory_space<hbm>>
    %dma_start3A_27 = tpu.memref_squeeze %dma_start3A_26 : memref<1x64xi32, #tpu.memory_space<hbm>> -> memref<64xi32, #tpu.memory_space<hbm>>
    %dma_start3A_28 = arith.constant 0 : i32
    %dma_start3A_29 = tpu.memref_slice %arg4[%add3A_24, %dma_start3A_28] : memref<5120x64xi32, #tpu.memory_space<hbm>> -> memref<1x64xi32, #tpu.memory_space<hbm>>
    %dma_start3A_30 = tpu.memref_squeeze %dma_start3A_29 : memref<1x64xi32, #tpu.memory_space<hbm>> -> memref<64xi32, #tpu.memory_space<hbm>>
    tpu.enqueue_dma source(%dma_start3A_30 : memref<64xi32, #tpu.memory_space<hbm>>) target(%arg9 : memref<64xi32, #tpu.memory_space<vmem>>) target_semaphore(%arg25 : memref<!tpu.dma_semaphore, #tpu.memory_space<semaphore_mem>>)
    %dma_start3A_31 = arith.constant 0 : i32
    %dma_start3A_32 = tpu.memref_slice %arg8[%dma_start3A_31] : memref<10240xi32, #tpu.memory_space<vmem>> -> memref<64xi32, #tpu.memory_space<vmem>>
    %dma_start3A_33 = arith.constant 0 : i32
    %dma_start3A_34 = arith.constant 0 : i32
    %dma_start3A_35 = tpu.memref_slice %arg2[%dma_start3A_33, %dma_start3A_34] : memref<10240x128xf32, #tpu.memory_space<hbm>> -> memref<10240x128xf32, #tpu.memory_space<hbm>>
    tpu.enqueue_indirect_dma source(%dma_start3A_35 : memref<10240x128xf32, #tpu.memory_space<hbm>>) target(%arg13 : memref<64x128xf32, #tpu.memory_space<vmem>>) offsets(%dma_start3A_32 : memref<64xi32, #tpu.memory_space<vmem>>) semaphore(%arg17 : memref<!tpu.dma_semaphore, #tpu.memory_space<semaphore_mem>>)
    %add3A_36 = arith.constant 1 : i32
    %add3A_37 = arith.addi %mul3A_22, %add3A_36 : i32
    %dma_start3A_38 = arith.constant 0 : i32
    %dma_start3A_39 = tpu.memref_slice %arg4[%add3A_37, %dma_start3A_38] : memref<5120x64xi32, #tpu.memory_space<hbm>> -> memref<1x64xi32, #tpu.memory_space<hbm>>
    %dma_start3A_40 = tpu.memref_squeeze %dma_start3A_39 : memref<1x64xi32, #tpu.memory_space<hbm>> -> memref<64xi32, #tpu.memory_space<hbm>>
    %dma_start3A_41 = arith.constant 0 : i32
    %dma_start3A_42 = tpu.memref_slice %arg4[%add3A_37, %dma_start3A_41] : memref<5120x64xi32, #tpu.memory_space<hbm>> -> memref<1x64xi32, #tpu.memory_space<hbm>>
    %dma_start3A_43 = tpu.memref_squeeze %dma_start3A_42 : memref<1x64xi32, #tpu.memory_space<hbm>> -> memref<64xi32, #tpu.memory_space<hbm>>
    tpu.enqueue_dma source(%dma_start3A_43 : memref<64xi32, #tpu.memory_space<hbm>>) target(%arg10 : memref<64xi32, #tpu.memory_space<vmem>>) target_semaphore(%arg26 : memref<!tpu.dma_semaphore, #tpu.memory_space<semaphore_mem>>)
    %dma_start3A_44 = arith.constant 64 : i32
    %dma_start3A_45 = tpu.memref_slice %arg8[%dma_start3A_44] : memref<10240xi32, #tpu.memory_space<vmem>> -> memref<64xi32, #tpu.memory_space<vmem>>
    %dma_start3A_46 = arith.constant 0 : i32
    %dma_start3A_47 = arith.constant 0 : i32
    %dma_start3A_48 = tpu.memref_slice %arg2[%dma_start3A_46, %dma_start3A_47] : memref<10240x128xf32, #tpu.memory_space<hbm>> -> memref<10240x128xf32, #tpu.memory_space<hbm>>
    tpu.enqueue_indirect_dma source(%dma_start3A_48 : memref<10240x128xf32, #tpu.memory_space<hbm>>) target(%arg14 : memref<64x128xf32, #tpu.memory_space<vmem>>) offsets(%dma_start3A_45 : memref<64xi32, #tpu.memory_space<vmem>>) semaphore(%arg18 : memref<!tpu.dma_semaphore, #tpu.memory_space<semaphore_mem>>)
    %add3A_49 = arith.constant 2 : i32
    %add3A_50 = arith.addi %mul3A_22, %add3A_49 : i32
    %dma_start3A_51 = arith.constant 0 : i32
    %dma_start3A_52 = tpu.memref_slice %arg4[%add3A_50, %dma_start3A_51] : memref<5120x64xi32, #tpu.memory_space<hbm>> -> memref<1x64xi32, #tpu.memory_space<hbm>>
    %dma_start3A_53 = tpu.memref_squeeze %dma_start3A_52 : memref<1x64xi32, #tpu.memory_space<hbm>> -> memref<64xi32, #tpu.memory_space<hbm>>
    %dma_start3A_54 = arith.constant 0 : i32
    %dma_start3A_55 = tpu.memref_slice %arg4[%add3A_50, %dma_start3A_54] : memref<5120x64xi32, #tpu.memory_space<hbm>> -> memref<1x64xi32, #tpu.memory_space<hbm>>
    %dma_start3A_56 = tpu.memref_squeeze %dma_start3A_55 : memref<1x64xi32, #tpu.memory_space<hbm>> -> memref<64xi32, #tpu.memory_space<hbm>>
    tpu.enqueue_dma source(%dma_start3A_56 : memref<64xi32, #tpu.memory_space<hbm>>) target(%arg11 : memref<64xi32, #tpu.memory_space<vmem>>) target_semaphore(%arg27 : memref<!tpu.dma_semaphore, #tpu.memory_space<semaphore_mem>>)
    %dma_start3A_57 = arith.constant 128 : i32
    %dma_start3A_58 = tpu.memref_slice %arg8[%dma_start3A_57] : memref<10240xi32, #tpu.memory_space<vmem>> -> memref<64xi32, #tpu.memory_space<vmem>>
    %dma_start3A_59 = arith.constant 0 : i32
    %dma_start3A_60 = arith.constant 0 : i32
    %dma_start3A_61 = tpu.memref_slice %arg2[%dma_start3A_59, %dma_start3A_60] : memref<10240x128xf32, #tpu.memory_space<hbm>> -> memref<10240x128xf32, #tpu.memory_space<hbm>>
    tpu.enqueue_indirect_dma source(%dma_start3A_61 : memref<10240x128xf32, #tpu.memory_space<hbm>>) target(%arg15 : memref<64x128xf32, #tpu.memory_space<vmem>>) offsets(%dma_start3A_58 : memref<64xi32, #tpu.memory_space<vmem>>) semaphore(%arg19 : memref<!tpu.dma_semaphore, #tpu.memory_space<semaphore_mem>>)
    %add3A_62 = arith.constant 3 : i32
    %add3A_63 = arith.addi %mul3A_22, %add3A_62 : i32
    %dma_start3A_64 = arith.constant 0 : i32
    %dma_start3A_65 = tpu.memref_slice %arg4[%add3A_63, %dma_start3A_64] : memref<5120x64xi32, #tpu.memory_space<hbm>> -> memref<1x64xi32, #tpu.memory_space<hbm>>
    %dma_start3A_66 = tpu.memref_squeeze %dma_start3A_65 : memref<1x64xi32, #tpu.memory_space<hbm>> -> memref<64xi32, #tpu.memory_space<hbm>>
    %dma_start3A_67 = arith.constant 0 : i32
    %dma_start3A_68 = tpu.memref_slice %arg4[%add3A_63, %dma_start3A_67] : memref<5120x64xi32, #tpu.memory_space<hbm>> -> memref<1x64xi32, #tpu.memory_space<hbm>>
    %dma_start3A_69 = tpu.memref_squeeze %dma_start3A_68 : memref<1x64xi32, #tpu.memory_space<hbm>> -> memref<64xi32, #tpu.memory_space<hbm>>
    tpu.enqueue_dma source(%dma_start3A_69 : memref<64xi32, #tpu.memory_space<hbm>>) target(%arg12 : memref<64xi32, #tpu.memory_space<vmem>>) target_semaphore(%arg28 : memref<!tpu.dma_semaphore, #tpu.memory_space<semaphore_mem>>)
    %dma_start3A_70 = arith.constant 192 : i32
    %dma_start3A_71 = tpu.memref_slice %arg8[%dma_start3A_70] : memref<10240xi32, #tpu.memory_space<vmem>> -> memref<64xi32, #tpu.memory_space<vmem>>
    %dma_start3A_72 = arith.constant 0 : i32
    %dma_start3A_73 = arith.constant 0 : i32
    %dma_start3A_74 = tpu.memref_slice %arg2[%dma_start3A_72, %dma_start3A_73] : memref<10240x128xf32, #tpu.memory_space<hbm>> -> memref<10240x128xf32, #tpu.memory_space<hbm>>
    tpu.enqueue_indirect_dma source(%dma_start3A_74 : memref<10240x128xf32, #tpu.memory_space<hbm>>) target(%arg16 : memref<64x128xf32, #tpu.memory_space<vmem>>) offsets(%dma_start3A_71 : memref<64xi32, #tpu.memory_space<vmem>>) semaphore(%arg20 : memref<!tpu.dma_semaphore, #tpu.memory_space<semaphore_mem>>)
    %scan3A = arith.constant 0 : i32
    %scan3A_75 = arith.constant 0 : i32
    %scan3A_76 = arith.constant 40 : i32
    %scan3A_77 = arith.addi %scan3A_75, %scan3A_76 : i32
    %scan3A_78 = arith.constant 1 : i32
    scf.for %scan3A_88 = %scan3A_75 to %scan3A_77 step %scan3A_78  : i32 {
      %dma_wait3A_89 = arith.constant 0 : i32
      %dma_wait3A_90 = arith.constant 0 : i32
      %dma_wait3A_91 = tpu.memref_slice %arg4[%dma_wait3A_89, %dma_wait3A_90] : memref<5120x64xi32, #tpu.memory_space<hbm>> -> memref<1x64xi32, #tpu.memory_space<hbm>>
      %dma_wait3A_92 = tpu.memref_squeeze %dma_wait3A_91 : memref<1x64xi32, #tpu.memory_space<hbm>> -> memref<64xi32, #tpu.memory_space<hbm>>
      %dma_wait3A_93 = arith.constant 0 : i32
      %dma_wait3A_94 = tpu.memref_slice %arg4[%dma_wait3A_89, %dma_wait3A_93] : memref<5120x64xi32, #tpu.memory_space<hbm>> -> memref<1x64xi32, #tpu.memory_space<hbm>>
      %dma_wait3A_95 = tpu.memref_squeeze %dma_wait3A_94 : memref<1x64xi32, #tpu.memory_space<hbm>> -> memref<64xi32, #tpu.memory_space<hbm>>
      tpu.wait_dma2 semaphore(%arg25 : memref<!tpu.dma_semaphore, #tpu.memory_space<semaphore_mem>>) src(%dma_wait3A_95 : memref<64xi32, #tpu.memory_space<hbm>>) dst(%arg9 : memref<64xi32, #tpu.memory_space<vmem>>)
      %dma_wait3A_96 = arith.constant 0 : i32
      %dma_wait3A_97 = arith.constant 0 : i32
      %dma_wait3A_98 = tpu.memref_slice %arg2[%dma_wait3A_96, %dma_wait3A_97] : memref<10240x128xf32, #tpu.memory_space<hbm>> -> memref<64x128xf32, #tpu.memory_space<hbm>>
      %dma_wait3A_99 = arith.constant 0 : i32
      %dma_wait3A_100 = arith.constant 0 : i32
      %dma_wait3A_101 = tpu.memref_slice %arg2[%dma_wait3A_99, %dma_wait3A_100] : memref<10240x128xf32, #tpu.memory_space<hbm>> -> memref<64x128xf32, #tpu.memory_space<hbm>>
      tpu.wait_dma2 semaphore(%arg17 : memref<!tpu.dma_semaphore, #tpu.memory_space<semaphore_mem>>) src(%dma_wait3A_101 : memref<64x128xf32, #tpu.memory_space<hbm>>) dst(%arg13 : memref<64x128xf32, #tpu.memory_space<vmem>>)
      %dma_start3A_102 = arith.constant 0 : i32
      %dma_start3A_103 = arith.constant 0 : i32
      %dma_start3A_104 = tpu.memref_slice %arg7[%dma_start3A_102, %dma_start3A_103] : memref<10240x128xf32, #tpu.memory_space<vmem_shared>> -> memref<10240x128xf32, #tpu.memory_space<vmem_shared>>
      tpu.enqueue_indirect_dma source(%arg13 : memref<64x128xf32, #tpu.memory_space<vmem>>) target(%dma_start3A_104 : memref<10240x128xf32, #tpu.memory_space<vmem_shared>>) offsets(%arg9 : memref<64xi32, #tpu.memory_space<vmem>>) semaphore(%arg21 : memref<!tpu.dma_semaphore, #tpu.memory_space<semaphore_mem>>) {add = true}
      %dma_wait3A_105 = arith.constant 0 : i32
      %dma_wait3A_106 = arith.constant 0 : i32
      %dma_wait3A_107 = tpu.memref_slice %arg4[%dma_wait3A_105, %dma_wait3A_106] : memref<5120x64xi32, #tpu.memory_space<hbm>> -> memref<1x64xi32, #tpu.memory_space<hbm>>
      %dma_wait3A_108 = tpu.memref_squeeze %dma_wait3A_107 : memref<1x64xi32, #tpu.memory_space<hbm>> -> memref<64xi32, #tpu.memory_space<hbm>>
      %dma_wait3A_109 = arith.constant 0 : i32
      %dma_wait3A_110 = tpu.memref_slice %arg4[%dma_wait3A_105, %dma_wait3A_109] : memref<5120x64xi32, #tpu.memory_space<hbm>> -> memref<1x64xi32, #tpu.memory_space<hbm>>
      %dma_wait3A_111 = tpu.memref_squeeze %dma_wait3A_110 : memref<1x64xi32, #tpu.memory_space<hbm>> -> memref<64xi32, #tpu.memory_space<hbm>>
      tpu.wait_dma2 semaphore(%arg26 : memref<!tpu.dma_semaphore, #tpu.memory_space<semaphore_mem>>) src(%dma_wait3A_111 : memref<64xi32, #tpu.memory_space<hbm>>) dst(%arg10 : memref<64xi32, #tpu.memory_space<vmem>>)
      %dma_wait3A_112 = arith.constant 0 : i32
      %dma_wait3A_113 = arith.constant 0 : i32
      %dma_wait3A_114 = tpu.memref_slice %arg2[%dma_wait3A_112, %dma_wait3A_113] : memref<10240x128xf32, #tpu.memory_space<hbm>> -> memref<64x128xf32, #tpu.memory_space<hbm>>
      %dma_wait3A_115 = arith.constant 0 : i32
      %dma_wait3A_116 = arith.constant 0 : i32
      %dma_wait3A_117 = tpu.memref_slice %arg2[%dma_wait3A_115, %dma_wait3A_116] : memref<10240x128xf32, #tpu.memory_space<hbm>> -> memref<64x128xf32, #tpu.memory_space<hbm>>
      tpu.wait_dma2 semaphore(%arg18 : memref<!tpu.dma_semaphore, #tpu.memory_space<semaphore_mem>>) src(%dma_wait3A_117 : memref<64x128xf32, #tpu.memory_space<hbm>>) dst(%arg14 : memref<64x128xf32, #tpu.memory_space<vmem>>)
      %dma_start3A_118 = arith.constant 0 : i32
      %dma_start3A_119 = arith.constant 0 : i32
      %dma_start3A_120 = tpu.memref_slice %arg7[%dma_start3A_118, %dma_start3A_119] : memref<10240x128xf32, #tpu.memory_space<vmem_shared>> -> memref<10240x128xf32, #tpu.memory_space<vmem_shared>>
      tpu.enqueue_indirect_dma source(%arg14 : memref<64x128xf32, #tpu.memory_space<vmem>>) target(%dma_start3A_120 : memref<10240x128xf32, #tpu.memory_space<vmem_shared>>) offsets(%arg10 : memref<64xi32, #tpu.memory_space<vmem>>) semaphore(%arg22 : memref<!tpu.dma_semaphore, #tpu.memory_space<semaphore_mem>>) {add = true}
      %dma_wait3A_121 = arith.constant 0 : i32
      %dma_wait3A_122 = arith.constant 0 : i32
      %dma_wait3A_123 = tpu.memref_slice %arg4[%dma_wait3A_121, %dma_wait3A_122] : memref<5120x64xi32, #tpu.memory_space<hbm>> -> memref<1x64xi32, #tpu.memory_space<hbm>>
      %dma_wait3A_124 = tpu.memref_squeeze %dma_wait3A_123 : memref<1x64xi32, #tpu.memory_space<hbm>> -> memref<64xi32, #tpu.memory_space<hbm>>
      %dma_wait3A_125 = arith.constant 0 : i32
      %dma_wait3A_126 = tpu.memref_slice %arg4[%dma_wait3A_121, %dma_wait3A_125] : memref<5120x64xi32, #tpu.memory_space<hbm>> -> memref<1x64xi32, #tpu.memory_space<hbm>>
      %dma_wait3A_127 = tpu.memref_squeeze %dma_wait3A_126 : memref<1x64xi32, #tpu.memory_space<hbm>> -> memref<64xi32, #tpu.memory_space<hbm>>
      tpu.wait_dma2 semaphore(%arg27 : memref<!tpu.dma_semaphore, #tpu.memory_space<semaphore_mem>>) src(%dma_wait3A_127 : memref<64xi32, #tpu.memory_space<hbm>>) dst(%arg11 : memref<64xi32, #tpu.memory_space<vmem>>)
      %dma_wait3A_128 = arith.constant 0 : i32
      %dma_wait3A_129 = arith.constant 0 : i32
      %dma_wait3A_130 = tpu.memref_slice %arg2[%dma_wait3A_128, %dma_wait3A_129] : memref<10240x128xf32, #tpu.memory_space<hbm>> -> memref<64x128xf32, #tpu.memory_space<hbm>>
      %dma_wait3A_131 = arith.constant 0 : i32
      %dma_wait3A_132 = arith.constant 0 : i32
      %dma_wait3A_133 = tpu.memref_slice %arg2[%dma_wait3A_131, %dma_wait3A_132] : memref<10240x128xf32, #tpu.memory_space<hbm>> -> memref<64x128xf32, #tpu.memory_space<hbm>>
      tpu.wait_dma2 semaphore(%arg19 : memref<!tpu.dma_semaphore, #tpu.memory_space<semaphore_mem>>) src(%dma_wait3A_133 : memref<64x128xf32, #tpu.memory_space<hbm>>) dst(%arg15 : memref<64x128xf32, #tpu.memory_space<vmem>>)
      %dma_start3A_134 = arith.constant 0 : i32
      %dma_start3A_135 = arith.constant 0 : i32
      %dma_start3A_136 = tpu.memref_slice %arg7[%dma_start3A_134, %dma_start3A_135] : memref<10240x128xf32, #tpu.memory_space<vmem_shared>> -> memref<10240x128xf32, #tpu.memory_space<vmem_shared>>
      tpu.enqueue_indirect_dma source(%arg15 : memref<64x128xf32, #tpu.memory_space<vmem>>) target(%dma_start3A_136 : memref<10240x128xf32, #tpu.memory_space<vmem_shared>>) offsets(%arg11 : memref<64xi32, #tpu.memory_space<vmem>>) semaphore(%arg23 : memref<!tpu.dma_semaphore, #tpu.memory_space<semaphore_mem>>) {add = true}
      %dma_wait3A_137 = arith.constant 0 : i32
      %dma_wait3A_138 = arith.constant 0 : i32
      %dma_wait3A_139 = tpu.memref_slice %arg4[%dma_wait3A_137, %dma_wait3A_138] : memref<5120x64xi32, #tpu.memory_space<hbm>> -> memref<1x64xi32, #tpu.memory_space<hbm>>
      %dma_wait3A_140 = tpu.memref_squeeze %dma_wait3A_139 : memref<1x64xi32, #tpu.memory_space<hbm>> -> memref<64xi32, #tpu.memory_space<hbm>>
      %dma_wait3A_141 = arith.constant 0 : i32
      %dma_wait3A_142 = tpu.memref_slice %arg4[%dma_wait3A_137, %dma_wait3A_141] : memref<5120x64xi32, #tpu.memory_space<hbm>> -> memref<1x64xi32, #tpu.memory_space<hbm>>
      %dma_wait3A_143 = tpu.memref_squeeze %dma_wait3A_142 : memref<1x64xi32, #tpu.memory_space<hbm>> -> memref<64xi32, #tpu.memory_space<hbm>>
      tpu.wait_dma2 semaphore(%arg28 : memref<!tpu.dma_semaphore, #tpu.memory_space<semaphore_mem>>) src(%dma_wait3A_143 : memref<64xi32, #tpu.memory_space<hbm>>) dst(%arg12 : memref<64xi32, #tpu.memory_space<vmem>>)
      %dma_wait3A_144 = arith.constant 0 : i32
      %dma_wait3A_145 = arith.constant 0 : i32
      %dma_wait3A_146 = tpu.memref_slice %arg2[%dma_wait3A_144, %dma_wait3A_145] : memref<10240x128xf32, #tpu.memory_space<hbm>> -> memref<64x128xf32, #tpu.memory_space<hbm>>
      %dma_wait3A_147 = arith.constant 0 : i32
      %dma_wait3A_148 = arith.constant 0 : i32
      %dma_wait3A_149 = tpu.memref_slice %arg2[%dma_wait3A_147, %dma_wait3A_148] : memref<10240x128xf32, #tpu.memory_space<hbm>> -> memref<64x128xf32, #tpu.memory_space<hbm>>
      tpu.wait_dma2 semaphore(%arg20 : memref<!tpu.dma_semaphore, #tpu.memory_space<semaphore_mem>>) src(%dma_wait3A_149 : memref<64x128xf32, #tpu.memory_space<hbm>>) dst(%arg16 : memref<64x128xf32, #tpu.memory_space<vmem>>)
      %dma_start3A_150 = arith.constant 0 : i32
      %dma_start3A_151 = arith.constant 0 : i32
      %dma_start3A_152 = tpu.memref_slice %arg7[%dma_start3A_150, %dma_start3A_151] : memref<10240x128xf32, #tpu.memory_space<vmem_shared>> -> memref<10240x128xf32, #tpu.memory_space<vmem_shared>>
      tpu.enqueue_indirect_dma source(%arg16 : memref<64x128xf32, #tpu.memory_space<vmem>>) target(%dma_start3A_152 : memref<10240x128xf32, #tpu.memory_space<vmem_shared>>) offsets(%arg12 : memref<64xi32, #tpu.memory_space<vmem>>) semaphore(%arg24 : memref<!tpu.dma_semaphore, #tpu.memory_space<semaphore_mem>>) {add = true}
      %add3A_153 = arith.constant 1 : i32
      %add3A_154 = arith.addi %scan3A_88, %add3A_153 : i32
      %mul3A_155 = arith.constant 4 : i32
      %mul3A_156 = arith.muli %mul3A_155, %add3A_154 : i32
      %add3A_157 = arith.constant 0 : i32
      %add3A_158 = arith.addi %mul3A_156, %add3A_157 : i32
      %dma_wait3A_159 = arith.constant 0 : i32
      %dma_wait3A_160 = arith.constant 0 : i32
      %dma_wait3A_161 = tpu.memref_slice %arg2[%dma_wait3A_159, %dma_wait3A_160] : memref<10240x128xf32, #tpu.memory_space<hbm>> -> memref<64x128xf32, #tpu.memory_space<hbm>>
      %dma_wait3A_162 = arith.constant 0 : i32
      %dma_wait3A_163 = arith.constant 0 : i32
      %dma_wait3A_164 = tpu.memref_slice %arg2[%dma_wait3A_162, %dma_wait3A_163] : memref<10240x128xf32, #tpu.memory_space<hbm>> -> memref<64x128xf32, #tpu.memory_space<hbm>>
      tpu.wait_dma2 semaphore(%arg21 : memref<!tpu.dma_semaphore, #tpu.memory_space<semaphore_mem>>) src(%dma_wait3A_164 : memref<64x128xf32, #tpu.memory_space<hbm>>) dst(%arg13 : memref<64x128xf32, #tpu.memory_space<vmem>>)
      %lt3A = arith.constant 160 : i32
      %lt3A_165 = arith.cmpi slt, %add3A_158, %lt3A : i32
      %convert_element_type3A_166 = arith.extui %lt3A_165 : i1 to i32
      %cond3A_167 = arith.constant 0 : i32
      %cond3A_168 = arith.cmpi ne, %convert_element_type3A_166, %cond3A_167 : i32
      scf.if %cond3A_168 {
        %add3A_220 = arith.addi %mul3A_22, %add3A_158 : i32
        %dma_start3A_221 = arith.constant 0 : i32
        %dma_start3A_222 = tpu.memref_slice %arg4[%add3A_220, %dma_start3A_221] : memref<5120x64xi32, #tpu.memory_space<hbm>> -> memref<1x64xi32, #tpu.memory_space<hbm>>
        %dma_start3A_223 = tpu.memref_squeeze %dma_start3A_222 : memref<1x64xi32, #tpu.memory_space<hbm>> -> memref<64xi32, #tpu.memory_space<hbm>>
        %dma_start3A_224 = arith.constant 0 : i32
        %dma_start3A_225 = tpu.memref_slice %arg4[%add3A_220, %dma_start3A_224] : memref<5120x64xi32, #tpu.memory_space<hbm>> -> memref<1x64xi32, #tpu.memory_space<hbm>>
        %dma_start3A_226 = tpu.memref_squeeze %dma_start3A_225 : memref<1x64xi32, #tpu.memory_space<hbm>> -> memref<64xi32, #tpu.memory_space<hbm>>
        tpu.enqueue_dma source(%dma_start3A_226 : memref<64xi32, #tpu.memory_space<hbm>>) target(%arg9 : memref<64xi32, #tpu.memory_space<vmem>>) target_semaphore(%arg25 : memref<!tpu.dma_semaphore, #tpu.memory_space<semaphore_mem>>)
        %mul3A_227 = arith.constant 64 : i32
        %mul3A_228 = arith.muli %add3A_158, %mul3A_227 : i32
        %dma_start3A_229 = tpu.memref_slice %arg8[%mul3A_228] : memref<10240xi32, #tpu.memory_space<vmem>> -> memref<64xi32, #tpu.memory_space<vmem>>
        %dma_start3A_230 = arith.constant 0 : i32
        %dma_start3A_231 = arith.constant 0 : i32
        %dma_start3A_232 = tpu.memref_slice %arg2[%dma_start3A_230, %dma_start3A_231] : memref<10240x128xf32, #tpu.memory_space<hbm>> -> memref<10240x128xf32, #tpu.memory_space<hbm>>
        tpu.enqueue_indirect_dma source(%dma_start3A_232 : memref<10240x128xf32, #tpu.memory_space<hbm>>) target(%arg13 : memref<64x128xf32, #tpu.memory_space<vmem>>) offsets(%dma_start3A_229 : memref<64xi32, #tpu.memory_space<vmem>>) semaphore(%arg17 : memref<!tpu.dma_semaphore, #tpu.memory_space<semaphore_mem>>)
      } else {
      }
      %add3A_169 = arith.constant 1 : i32
      %add3A_170 = arith.addi %scan3A_88, %add3A_169 : i32
      %mul3A_171 = arith.constant 4 : i32
      %mul3A_172 = arith.muli %mul3A_171, %add3A_170 : i32
      %add3A_173 = arith.constant 1 : i32
      %add3A_174 = arith.addi %mul3A_172, %add3A_173 : i32
      %dma_wait3A_175 = arith.constant 0 : i32
      %dma_wait3A_176 = arith.constant 0 : i32
      %dma_wait3A_177 = tpu.memref_slice %arg2[%dma_wait3A_175, %dma_wait3A_176] : memref<10240x128xf32, #tpu.memory_space<hbm>> -> memref<64x128xf32, #tpu.memory_space<hbm>>
      %dma_wait3A_178 = arith.constant 0 : i32
      %dma_wait3A_179 = arith.constant 0 : i32
      %dma_wait3A_180 = tpu.memref_slice %arg2[%dma_wait3A_178, %dma_wait3A_179] : memref<10240x128xf32, #tpu.memory_space<hbm>> -> memref<64x128xf32, #tpu.memory_space<hbm>>
      tpu.wait_dma2 semaphore(%arg22 : memref<!tpu.dma_semaphore, #tpu.memory_space<semaphore_mem>>) src(%dma_wait3A_180 : memref<64x128xf32, #tpu.memory_space<hbm>>) dst(%arg14 : memref<64x128xf32, #tpu.memory_space<vmem>>)
      %lt3A_181 = arith.constant 160 : i32
      %lt3A_182 = arith.cmpi slt, %add3A_174, %lt3A_181 : i32
      %convert_element_type3A_183 = arith.extui %lt3A_182 : i1 to i32
      %cond3A_184 = arith.constant 0 : i32
      %cond3A_185 = arith.cmpi ne, %convert_element_type3A_183, %cond3A_184 : i32
      scf.if %cond3A_185 {
        %add3A_220 = arith.addi %mul3A_22, %add3A_174 : i32
        %dma_start3A_221 = arith.constant 0 : i32
        %dma_start3A_222 = tpu.memref_slice %arg4[%add3A_220, %dma_start3A_221] : memref<5120x64xi32, #tpu.memory_space<hbm>> -> memref<1x64xi32, #tpu.memory_space<hbm>>
        %dma_start3A_223 = tpu.memref_squeeze %dma_start3A_222 : memref<1x64xi32, #tpu.memory_space<hbm>> -> memref<64xi32, #tpu.memory_space<hbm>>
        %dma_start3A_224 = arith.constant 0 : i32
        %dma_start3A_225 = tpu.memref_slice %arg4[%add3A_220, %dma_start3A_224] : memref<5120x64xi32, #tpu.memory_space<hbm>> -> memref<1x64xi32, #tpu.memory_space<hbm>>
        %dma_start3A_226 = tpu.memref_squeeze %dma_start3A_225 : memref<1x64xi32, #tpu.memory_space<hbm>> -> memref<64xi32, #tpu.memory_space<hbm>>
        tpu.enqueue_dma source(%dma_start3A_226 : memref<64xi32, #tpu.memory_space<hbm>>) target(%arg10 : memref<64xi32, #tpu.memory_space<vmem>>) target_semaphore(%arg26 : memref<!tpu.dma_semaphore, #tpu.memory_space<semaphore_mem>>)
        %mul3A_227 = arith.constant 64 : i32
        %mul3A_228 = arith.muli %add3A_174, %mul3A_227 : i32
        %dma_start3A_229 = tpu.memref_slice %arg8[%mul3A_228] : memref<10240xi32, #tpu.memory_space<vmem>> -> memref<64xi32, #tpu.memory_space<vmem>>
        %dma_start3A_230 = arith.constant 0 : i32
        %dma_start3A_231 = arith.constant 0 : i32
        %dma_start3A_232 = tpu.memref_slice %arg2[%dma_start3A_230, %dma_start3A_231] : memref<10240x128xf32, #tpu.memory_space<hbm>> -> memref<10240x128xf32, #tpu.memory_space<hbm>>
        tpu.enqueue_indirect_dma source(%dma_start3A_232 : memref<10240x128xf32, #tpu.memory_space<hbm>>) target(%arg14 : memref<64x128xf32, #tpu.memory_space<vmem>>) offsets(%dma_start3A_229 : memref<64xi32, #tpu.memory_space<vmem>>) semaphore(%arg18 : memref<!tpu.dma_semaphore, #tpu.memory_space<semaphore_mem>>)
      } else {
      }
      %add3A_186 = arith.constant 1 : i32
      %add3A_187 = arith.addi %scan3A_88, %add3A_186 : i32
      %mul3A_188 = arith.constant 4 : i32
      %mul3A_189 = arith.muli %mul3A_188, %add3A_187 : i32
      %add3A_190 = arith.constant 2 : i32
      %add3A_191 = arith.addi %mul3A_189, %add3A_190 : i32
      %dma_wait3A_192 = arith.constant 0 : i32
      %dma_wait3A_193 = arith.constant 0 : i32
      %dma_wait3A_194 = tpu.memref_slice %arg2[%dma_wait3A_192, %dma_wait3A_193] : memref<10240x128xf32, #tpu.memory_space<hbm>> -> memref<64x128xf32, #tpu.memory_space<hbm>>
      %dma_wait3A_195 = arith.constant 0 : i32
      %dma_wait3A_196 = arith.constant 0 : i32
      %dma_wait3A_197 = tpu.memref_slice %arg2[%dma_wait3A_195, %dma_wait3A_196] : memref<10240x128xf32, #tpu.memory_space<hbm>> -> memref<64x128xf32, #tpu.memory_space<hbm>>
      tpu.wait_dma2 semaphore(%arg23 : memref<!tpu.dma_semaphore, #tpu.memory_space<semaphore_mem>>) src(%dma_wait3A_197 : memref<64x128xf32, #tpu.memory_space<hbm>>) dst(%arg15 : memref<64x128xf32, #tpu.memory_space<vmem>>)
      %lt3A_198 = arith.constant 160 : i32
      %lt3A_199 = arith.cmpi slt, %add3A_191, %lt3A_198 : i32
      %convert_element_type3A_200 = arith.extui %lt3A_199 : i1 to i32
      %cond3A_201 = arith.constant 0 : i32
      %cond3A_202 = arith.cmpi ne, %convert_element_type3A_200, %cond3A_201 : i32
      scf.if %cond3A_202 {
        %add3A_220 = arith.addi %mul3A_22, %add3A_191 : i32
        %dma_start3A_221 = arith.constant 0 : i32
        %dma_start3A_222 = tpu.memref_slice %arg4[%add3A_220, %dma_start3A_221] : memref<5120x64xi32, #tpu.memory_space<hbm>> -> memref<1x64xi32, #tpu.memory_space<hbm>>
        %dma_start3A_223 = tpu.memref_squeeze %dma_start3A_222 : memref<1x64xi32, #tpu.memory_space<hbm>> -> memref<64xi32, #tpu.memory_space<hbm>>
        %dma_start3A_224 = arith.constant 0 : i32
        %dma_start3A_225 = tpu.memref_slice %arg4[%add3A_220, %dma_start3A_224] : memref<5120x64xi32, #tpu.memory_space<hbm>> -> memref<1x64xi32, #tpu.memory_space<hbm>>
        %dma_start3A_226 = tpu.memref_squeeze %dma_start3A_225 : memref<1x64xi32, #tpu.memory_space<hbm>> -> memref<64xi32, #tpu.memory_space<hbm>>
        tpu.enqueue_dma source(%dma_start3A_226 : memref<64xi32, #tpu.memory_space<hbm>>) target(%arg11 : memref<64xi32, #tpu.memory_space<vmem>>) target_semaphore(%arg27 : memref<!tpu.dma_semaphore, #tpu.memory_space<semaphore_mem>>)
        %mul3A_227 = arith.constant 64 : i32
        %mul3A_228 = arith.muli %add3A_191, %mul3A_227 : i32
        %dma_start3A_229 = tpu.memref_slice %arg8[%mul3A_228] : memref<10240xi32, #tpu.memory_space<vmem>> -> memref<64xi32, #tpu.memory_space<vmem>>
        %dma_start3A_230 = arith.constant 0 : i32
        %dma_start3A_231 = arith.constant 0 : i32
        %dma_start3A_232 = tpu.memref_slice %arg2[%dma_start3A_230, %dma_start3A_231] : memref<10240x128xf32, #tpu.memory_space<hbm>> -> memref<10240x128xf32, #tpu.memory_space<hbm>>
        tpu.enqueue_indirect_dma source(%dma_start3A_232 : memref<10240x128xf32, #tpu.memory_space<hbm>>) target(%arg15 : memref<64x128xf32, #tpu.memory_space<vmem>>) offsets(%dma_start3A_229 : memref<64xi32, #tpu.memory_space<vmem>>) semaphore(%arg19 : memref<!tpu.dma_semaphore, #tpu.memory_space<semaphore_mem>>)
      } else {
      }
      %add3A_203 = arith.constant 1 : i32
      %add3A_204 = arith.addi %scan3A_88, %add3A_203 : i32
      %mul3A_205 = arith.constant 4 : i32
      %mul3A_206 = arith.muli %mul3A_205, %add3A_204 : i32
      %add3A_207 = arith.constant 3 : i32
      %add3A_208 = arith.addi %mul3A_206, %add3A_207 : i32
      %dma_wait3A_209 = arith.constant 0 : i32
      %dma_wait3A_210 = arith.constant 0 : i32
      %dma_wait3A_211 = tpu.memref_slice %arg2[%dma_wait3A_209, %dma_wait3A_210] : memref<10240x128xf32, #tpu.memory_space<hbm>> -> memref<64x128xf32, #tpu.memory_space<hbm>>
      %dma_wait3A_212 = arith.constant 0 : i32
      %dma_wait3A_213 = arith.constant 0 : i32
      %dma_wait3A_214 = tpu.memref_slice %arg2[%dma_wait3A_212, %dma_wait3A_213] : memref<10240x128xf32, #tpu.memory_space<hbm>> -> memref<64x128xf32, #tpu.memory_space<hbm>>
      tpu.wait_dma2 semaphore(%arg24 : memref<!tpu.dma_semaphore, #tpu.memory_space<semaphore_mem>>) src(%dma_wait3A_214 : memref<64x128xf32, #tpu.memory_space<hbm>>) dst(%arg16 : memref<64x128xf32, #tpu.memory_space<vmem>>)
      %lt3A_215 = arith.constant 160 : i32
      %lt3A_216 = arith.cmpi slt, %add3A_208, %lt3A_215 : i32
      %convert_element_type3A_217 = arith.extui %lt3A_216 : i1 to i32
      %cond3A_218 = arith.constant 0 : i32
      %cond3A_219 = arith.cmpi ne, %convert_element_type3A_217, %cond3A_218 : i32
      scf.if %cond3A_219 {
        %add3A_220 = arith.addi %mul3A_22, %add3A_208 : i32
        %dma_start3A_221 = arith.constant 0 : i32
        %dma_start3A_222 = tpu.memref_slice %arg4[%add3A_220, %dma_start3A_221] : memref<5120x64xi32, #tpu.memory_space<hbm>> -> memref<1x64xi32, #tpu.memory_space<hbm>>
        %dma_start3A_223 = tpu.memref_squeeze %dma_start3A_222 : memref<1x64xi32, #tpu.memory_space<hbm>> -> memref<64xi32, #tpu.memory_space<hbm>>
        %dma_start3A_224 = arith.constant 0 : i32
        %dma_start3A_225 = tpu.memref_slice %arg4[%add3A_220, %dma_start3A_224] : memref<5120x64xi32, #tpu.memory_space<hbm>> -> memref<1x64xi32, #tpu.memory_space<hbm>>
        %dma_start3A_226 = tpu.memref_squeeze %dma_start3A_225 : memref<1x64xi32, #tpu.memory_space<hbm>> -> memref<64xi32, #tpu.memory_space<hbm>>
        tpu.enqueue_dma source(%dma_start3A_226 : memref<64xi32, #tpu.memory_space<hbm>>) target(%arg12 : memref<64xi32, #tpu.memory_space<vmem>>) target_semaphore(%arg28 : memref<!tpu.dma_semaphore, #tpu.memory_space<semaphore_mem>>)
        %mul3A_227 = arith.constant 64 : i32
        %mul3A_228 = arith.muli %add3A_208, %mul3A_227 : i32
        %dma_start3A_229 = tpu.memref_slice %arg8[%mul3A_228] : memref<10240xi32, #tpu.memory_space<vmem>> -> memref<64xi32, #tpu.memory_space<vmem>>
        %dma_start3A_230 = arith.constant 0 : i32
        %dma_start3A_231 = arith.constant 0 : i32
        %dma_start3A_232 = tpu.memref_slice %arg2[%dma_start3A_230, %dma_start3A_231] : memref<10240x128xf32, #tpu.memory_space<hbm>> -> memref<10240x128xf32, #tpu.memory_space<hbm>>
        tpu.enqueue_indirect_dma source(%dma_start3A_232 : memref<10240x128xf32, #tpu.memory_space<hbm>>) target(%arg16 : memref<64x128xf32, #tpu.memory_space<vmem>>) offsets(%dma_start3A_229 : memref<64xi32, #tpu.memory_space<vmem>>) semaphore(%arg20 : memref<!tpu.dma_semaphore, #tpu.memory_space<semaphore_mem>>)
      } else {
      }
    }
    %scan3A_79 = arith.constant 40 : i32
    %barrier3A_80 = arith.constant 0 : index
    tpu.barrier barrier_id(%barrier3A_80)
    %eq3A = arith.constant 0 : i32
    %eq3A_81 = arith.cmpi eq, %arg0, %eq3A : i32
    %convert_element_type3A = arith.extui %eq3A_81 : i1 to i32
    %cond3A = arith.constant 0 : i32
    %cond3A_82 = arith.cmpi ne, %convert_element_type3A, %cond3A : i32
    scf.if %cond3A_82 {
      "tpu.region"() ({
        %run_scoped3A = tpu.sem_alloc : memref<!tpu.dma_semaphore, #tpu.memory_space<semaphore_mem>>
        %dma_start3A_88 = arith.constant 0 : i32
        %dma_start3A_89 = tpu.memref_slice %arg5[%mul3A_2, %dma_start3A_88] : memref<10240x128xf32, #tpu.memory_space<hbm>> -> memref<640x128xf32, #tpu.memory_space<hbm>>
        %dma_start3A_90 = arith.constant 0 : i32
        %dma_start3A_91 = tpu.memref_slice %arg7[%mul3A_2, %dma_start3A_90] : memref<10240x128xf32, #tpu.memory_space<vmem_shared>> -> memref<640x128xf32, #tpu.memory_space<vmem_shared>>
        tpu.enqueue_dma source(%dma_start3A_91 : memref<640x128xf32, #tpu.memory_space<vmem_shared>>) target(%dma_start3A_89 : memref<640x128xf32, #tpu.memory_space<hbm>>) target_semaphore(%run_scoped3A : memref<!tpu.dma_semaphore, #tpu.memory_space<semaphore_mem>>)
        %dma_wait3A_92 = arith.constant 0 : i32
        %dma_wait3A_93 = tpu.memref_slice %arg5[%mul3A_2, %dma_wait3A_92] : memref<10240x128xf32, #tpu.memory_space<hbm>> -> memref<640x128xf32, #tpu.memory_space<hbm>>
        %dma_wait3A_94 = arith.constant 0 : i32
        %dma_wait3A_95 = tpu.memref_slice %arg7[%mul3A_2, %dma_wait3A_94] : memref<10240x128xf32, #tpu.memory_space<vmem_shared>> -> memref<640x128xf32, #tpu.memory_space<vmem_shared>>
        tpu.wait_dma2 semaphore(%run_scoped3A : memref<!tpu.dma_semaphore, #tpu.memory_space<semaphore_mem>>) src(%dma_wait3A_95 : memref<640x128xf32, #tpu.memory_space<vmem_shared>>) dst(%dma_wait3A_93 : memref<640x128xf32, #tpu.memory_space<hbm>>)
        tpu.yield
      }) : () -> ()
    } else {
    }
    %eq3A_83 = arith.constant 1 : i32
    %eq3A_84 = arith.cmpi eq, %arg0, %eq3A_83 : i32
    %convert_element_type3A_85 = arith.extui %eq3A_84 : i1 to i32
    %cond3A_86 = arith.constant 0 : i32
    %cond3A_87 = arith.cmpi ne, %convert_element_type3A_85, %cond3A_86 : i32
    scf.if %cond3A_87 {
      "tpu.region"() ({
        %run_scoped3A = tpu.sem_alloc : memref<!tpu.dma_semaphore, #tpu.memory_space<semaphore_mem>>
        %dma_start3A_88 = arith.constant 0 : i32
        %dma_start3A_89 = tpu.memref_slice %arg6[%mul3A_2, %dma_start3A_88] : memref<10240x128xf32, #tpu.memory_space<hbm>> -> memref<640x128xf32, #tpu.memory_space<hbm>>
        %dma_start3A_90 = arith.constant 0 : i32
        %dma_start3A_91 = tpu.memref_slice %arg7[%mul3A_2, %dma_start3A_90] : memref<10240x128xf32, #tpu.memory_space<vmem_shared>> -> memref<640x128xf32, #tpu.memory_space<vmem_shared>>
        tpu.enqueue_dma source(%dma_start3A_91 : memref<640x128xf32, #tpu.memory_space<vmem_shared>>) target(%dma_start3A_89 : memref<640x128xf32, #tpu.memory_space<hbm>>) target_semaphore(%run_scoped3A : memref<!tpu.dma_semaphore, #tpu.memory_space<semaphore_mem>>)
        %dma_wait3A_92 = arith.constant 0 : i32
        %dma_wait3A_93 = tpu.memref_slice %arg6[%mul3A_2, %dma_wait3A_92] : memref<10240x128xf32, #tpu.memory_space<hbm>> -> memref<640x128xf32, #tpu.memory_space<hbm>>
        %dma_wait3A_94 = arith.constant 0 : i32
        %dma_wait3A_95 = tpu.memref_slice %arg7[%mul3A_2, %dma_wait3A_94] : memref<10240x128xf32, #tpu.memory_space<vmem_shared>> -> memref<640x128xf32, #tpu.memory_space<vmem_shared>>
        tpu.wait_dma2 semaphore(%run_scoped3A : memref<!tpu.dma_semaphore, #tpu.memory_space<semaphore_mem>>) src(%dma_wait3A_95 : memref<640x128xf32, #tpu.memory_space<vmem_shared>>) dst(%dma_wait3A_93 : memref<640x128xf32, #tpu.memory_space<hbm>>)
        tpu.yield
      }) : () -> ()
    } else {
    }
    return
  }
}

module attributes {stable_mosaic.version = 14 : i64} {
  func.func @_prescale_body(%arg0: i32, %arg1: memref<1280x128xf32, #tpu.memory_space<vmem>>, %arg2: memref<128x128xf32, #tpu.memory_space<vmem>>, %arg3: memref<1280x1xf32, #tpu.memory_space<vmem>>, %arg4: memref<1280x1xf32, #tpu.memory_space<vmem>>, %arg5: memref<1280x128xf32, #tpu.memory_space<vmem>>) attributes {dimension_semantics = [#tpu.dimension_semantics<arbitrary>], iteration_bounds = array<i64: 8>, scalar_prefetch = 0 : i64, scratch_operands = 0 : i64, tpu.core_type = #tpu.core_type<tc>, window_params = [{transform_indices = @transform_0, window_bounds = array<i64: 1280, 128>}, {pipeline_mode = #tpu.pipeline_mode<synchronous>, transform_indices = @transform_1, window_bounds = array<i64: 128, 128>}, {transform_indices = @transform_2, window_bounds = array<i64: 1280, 1>}, {transform_indices = @transform_3, window_bounds = array<i64: 1280, 1>}, {transform_indices = @transform_4, window_bounds = array<i64: 1280, 128>}]} {
    %get3A = arith.constant 0 : index
    %get3A_0 = arith.constant 0 : index
    %get3A_1 = vector.load %arg3[%get3A, %get3A_0] : memref<1280x1xf32, #tpu.memory_space<vmem>>, vector<1280x1xf32>
    %add3A = arith.constant 1.000000e+00 : f32
    %add3A_2 = vector.broadcast %add3A : f32 to vector<1280x1xf32>
    %add3A_3 = arith.addf %add3A_2, %get3A_1 : vector<1280x1xf32>
    %get3A_4 = arith.constant 0 : index
    %get3A_5 = arith.constant 0 : index
    %get3A_6 = vector.load %arg4[%get3A_4, %get3A_5] : memref<1280x1xf32, #tpu.memory_space<vmem>>, vector<1280x1xf32>
    %add3A_7 = arith.addf %add3A_3, %get3A_6 : vector<1280x1xf32>
    %rsqrt3A = math.rsqrt %add3A_7 : vector<1280x1xf32>
    %get3A_8 = arith.constant 0 : index
    %get3A_9 = arith.constant 0 : index
    %get3A_10 = vector.load %arg1[%get3A_8, %get3A_9] : memref<1280x128xf32, #tpu.memory_space<vmem>>, vector<1280x128xf32>
    %mul3A = vector.broadcast %rsqrt3A : vector<1280x1xf32> to vector<1280x128xf32>
    %mul3A_11 = arith.mulf %get3A_10, %mul3A : vector<1280x128xf32>
    %get3A_12 = arith.constant 0 : index
    %get3A_13 = arith.constant 0 : index
    %get3A_14 = vector.load %arg2[%get3A_12, %get3A_13] : memref<128x128xf32, #tpu.memory_space<vmem>>, vector<128x128xf32>
    %dot_general3A = arith.constant dense<0.000000e+00> : vector<1280x128xf32>
    %dot_general3A_15 = tpu.matmul %mul3A_11, %get3A_14, %dot_general3A {dimension_numbers = #tpu.dot_dimension_numbers<[1], [0], [0], [1], [0, 0, 1, 1], [], []>, transpose_lhs_hint = false} : vector<1280x128xf32>, vector<128x128xf32>, vector<1280x128xf32> -> vector<1280x128xf32>
    %swap3A = arith.constant 0 : index
    %swap3A_16 = arith.constant 0 : index
    %swap3A_17 = vector.load %arg5[%swap3A, %swap3A_16] : memref<1280x128xf32, #tpu.memory_space<vmem>>, vector<1280x128xf32>
    tpu.vector_store %arg5[%swap3A, %swap3A_16], %dot_general3A_15 {strides = array<i32>} : memref<1280x128xf32, #tpu.memory_space<vmem>>, vector<1280x128xf32>,
    return
  }
  func.func @transform_0(%arg0: i32) -> (i32, i32) {
    %c0_i32 = arith.constant 0 : i32
    %c0_i32_0 = arith.constant 0 : i32
    return %arg0, %c0_i32 : i32, i32
  }
  func.func @transform_1(%arg0: i32) -> (i32, i32) {
    %c0_i32 = arith.constant 0 : i32
    %c0_i32_0 = arith.constant 0 : i32
    %c0_i32_1 = arith.constant 0 : i32
    return %c0_i32, %c0_i32_0 : i32, i32
  }
  func.func @transform_2(%arg0: i32) -> (i32, i32) {
    %c0_i32 = arith.constant 0 : i32
    %c0_i32_0 = arith.constant 0 : i32
    return %arg0, %c0_i32 : i32, i32
  }
  func.func @transform_3(%arg0: i32) -> (i32, i32) {
    %c0_i32 = arith.constant 0 : i32
    %c0_i32_0 = arith.constant 0 : i32
    return %arg0, %c0_i32 : i32, i32
  }
  func.func @transform_4(%arg0: i32) -> (i32, i32) {
    %c0_i32 = arith.constant 0 : i32
    %c0_i32_0 = arith.constant 0 : i32
    return %arg0, %c0_i32 : i32, i32
  }
}

module attributes {stable_mosaic.version = 14 : i64} {
  func.func @_finalize_body(%arg0: i32, %arg1: memref<1280x128xf32, #tpu.memory_space<vmem>>, %arg2: memref<1280x128xf32, #tpu.memory_space<vmem>>, %arg3: memref<1280x128xf32, #tpu.memory_space<vmem>>, %arg4: memref<1280x128xf32, #tpu.memory_space<vmem>>, %arg5: memref<1280x1xf32, #tpu.memory_space<vmem>>, %arg6: memref<1280x1xf32, #tpu.memory_space<vmem>>, %arg7: memref<1x128xf32, #tpu.memory_space<vmem>>, %arg8: memref<1x128xf32, #tpu.memory_space<vmem>>, %arg9: memref<1x128xf32, #tpu.memory_space<vmem>>, %arg10: memref<1280x128xf32, #tpu.memory_space<vmem>>) attributes {dimension_semantics = [#tpu.dimension_semantics<arbitrary>], iteration_bounds = array<i64: 8>, scalar_prefetch = 0 : i64, scratch_operands = 0 : i64, tpu.core_type = #tpu.core_type<tc>, window_params = [{transform_indices = @transform_0, window_bounds = array<i64: 1280, 128>}, {transform_indices = @transform_1, window_bounds = array<i64: 1280, 128>}, {transform_indices = @transform_2, window_bounds = array<i64: 1280, 128>}, {transform_indices = @transform_3, window_bounds = array<i64: 1280, 128>}, {transform_indices = @transform_4, window_bounds = array<i64: 1280, 1>}, {transform_indices = @transform_5, window_bounds = array<i64: 1280, 1>}, {pipeline_mode = #tpu.pipeline_mode<synchronous>, transform_indices = @transform_6, window_bounds = array<i64: 1, 128>}, {pipeline_mode = #tpu.pipeline_mode<synchronous>, transform_indices = @transform_7, window_bounds = array<i64: 1, 128>}, {pipeline_mode = #tpu.pipeline_mode<synchronous>, transform_indices = @transform_8, window_bounds = array<i64: 1, 128>}, {transform_indices = @transform_9, window_bounds = array<i64: 1280, 128>}]} {
    %get3A = arith.constant 0 : index
    %get3A_0 = arith.constant 0 : index
    %get3A_1 = vector.load %arg5[%get3A, %get3A_0] : memref<1280x1xf32, #tpu.memory_space<vmem>>, vector<1280x1xf32>
    %add3A = arith.constant 1.000000e+00 : f32
    %add3A_2 = vector.broadcast %add3A : f32 to vector<1280x1xf32>
    %add3A_3 = arith.addf %add3A_2, %get3A_1 : vector<1280x1xf32>
    %get3A_4 = arith.constant 0 : index
    %get3A_5 = arith.constant 0 : index
    %get3A_6 = vector.load %arg6[%get3A_4, %get3A_5] : memref<1280x1xf32, #tpu.memory_space<vmem>>, vector<1280x1xf32>
    %add3A_7 = arith.addf %add3A_3, %get3A_6 : vector<1280x1xf32>
    %rsqrt3A = math.rsqrt %add3A_7 : vector<1280x1xf32>
    %get3A_8 = arith.constant 0 : index
    %get3A_9 = arith.constant 0 : index
    %get3A_10 = vector.load %arg1[%get3A_8, %get3A_9] : memref<1280x128xf32, #tpu.memory_space<vmem>>, vector<1280x128xf32>
    %get3A_11 = arith.constant 0 : index
    %get3A_12 = arith.constant 0 : index
    %get3A_13 = vector.load %arg2[%get3A_11, %get3A_12] : memref<1280x128xf32, #tpu.memory_space<vmem>>, vector<1280x128xf32>
    %add3A_14 = arith.addf %get3A_10, %get3A_13 : vector<1280x128xf32>
    %get3A_15 = arith.constant 0 : index
    %get3A_16 = arith.constant 0 : index
    %get3A_17 = vector.load %arg3[%get3A_15, %get3A_16] : memref<1280x128xf32, #tpu.memory_space<vmem>>, vector<1280x128xf32>
    %sub3A = arith.subf %add3A_14, %get3A_17 : vector<1280x128xf32>
    %mul3A = vector.broadcast %rsqrt3A : vector<1280x1xf32> to vector<1280x128xf32>
    %mul3A_18 = arith.mulf %sub3A, %mul3A : vector<1280x128xf32>
    %get3A_19 = arith.constant 0 : index
    %get3A_20 = arith.constant 0 : index
    %get3A_21 = vector.load %arg7[%get3A_19, %get3A_20] : memref<1x128xf32, #tpu.memory_space<vmem>>, vector<1x128xf32>
    %add3A_22 = vector.broadcast %get3A_21 : vector<1x128xf32> to vector<1280x128xf32>
    %add3A_23 = arith.addf %mul3A_18, %add3A_22 : vector<1280x128xf32>
    %reduce_sum3A = arith.constant dense<0.000000e+00> : vector<1280xf32>
    %reduce_sum3A_24 = vector.multi_reduction <add>, %add3A_23, %reduce_sum3A [1] : vector<1280x128xf32> to vector<1280xf32>
    %broadcast_in_dim3A = vector.shape_cast %reduce_sum3A_24 : vector<1280xf32> to vector<1280x1xf32>
    %div3A = arith.constant 1.280000e+02 : f32
    %div3A_25 = vector.broadcast %div3A : f32 to vector<1280x1xf32>
    %div3A_26 = arith.divf %broadcast_in_dim3A, %div3A_25 : vector<1280x1xf32>
    %sub3A_27 = vector.broadcast %div3A_26 : vector<1280x1xf32> to vector<1280x128xf32>
    %sub3A_28 = arith.subf %add3A_23, %sub3A_27 : vector<1280x128xf32>
    %integer_pow3A = arith.mulf %sub3A_28, %sub3A_28 : vector<1280x128xf32>
    %reduce_sum3A_29 = arith.constant dense<0.000000e+00> : vector<1280xf32>
    %reduce_sum3A_30 = vector.multi_reduction <add>, %integer_pow3A, %reduce_sum3A_29 [1] : vector<1280x128xf32> to vector<1280xf32>
    %broadcast_in_dim3A_31 = vector.shape_cast %reduce_sum3A_30 : vector<1280xf32> to vector<1280x1xf32>
    %div3A_32 = arith.constant 1.280000e+02 : f32
    %div3A_33 = vector.broadcast %div3A_32 : f32 to vector<1280x1xf32>
    %div3A_34 = arith.divf %broadcast_in_dim3A_31, %div3A_33 : vector<1280x1xf32>
    %sub3A_35 = vector.broadcast %div3A_26 : vector<1280x1xf32> to vector<1280x128xf32>
    %sub3A_36 = arith.subf %add3A_23, %sub3A_35 : vector<1280x128xf32>
    %add3A_37 = arith.constant 9.99999974E-6 : f32
    %add3A_38 = vector.broadcast %add3A_37 : f32 to vector<1280x1xf32>
    %add3A_39 = arith.addf %div3A_34, %add3A_38 : vector<1280x1xf32>
    %rsqrt3A_40 = math.rsqrt %add3A_39 : vector<1280x1xf32>
    %mul3A_41 = vector.broadcast %rsqrt3A_40 : vector<1280x1xf32> to vector<1280x128xf32>
    %mul3A_42 = arith.mulf %sub3A_36, %mul3A_41 : vector<1280x128xf32>
    %get3A_43 = arith.constant 0 : index
    %get3A_44 = arith.constant 0 : index
    %get3A_45 = vector.load %arg8[%get3A_43, %get3A_44] : memref<1x128xf32, #tpu.memory_space<vmem>>, vector<1x128xf32>
    %mul3A_46 = vector.broadcast %get3A_45 : vector<1x128xf32> to vector<1280x128xf32>
    %mul3A_47 = arith.mulf %mul3A_42, %mul3A_46 : vector<1280x128xf32>
    %get3A_48 = arith.constant 0 : index
    %get3A_49 = arith.constant 0 : index
    %get3A_50 = vector.load %arg9[%get3A_48, %get3A_49] : memref<1x128xf32, #tpu.memory_space<vmem>>, vector<1x128xf32>
    %add3A_51 = vector.broadcast %get3A_50 : vector<1x128xf32> to vector<1280x128xf32>
    %add3A_52 = arith.addf %mul3A_47, %add3A_51 : vector<1280x128xf32>
    %get3A_53 = arith.constant 0 : index
    %get3A_54 = arith.constant 0 : index
    %get3A_55 = vector.load %arg4[%get3A_53, %get3A_54] : memref<1280x128xf32, #tpu.memory_space<vmem>>, vector<1280x128xf32>
    %add3A_56 = arith.addf %add3A_52, %get3A_55 : vector<1280x128xf32>
    %max3A = arith.constant 0.000000e+00 : f32
    %max3A_57 = vector.broadcast %max3A : f32 to vector<1280x128xf32>
    %max3A_58 = arith.maximumf %add3A_56, %max3A_57 : vector<1280x128xf32>
    %swap3A = arith.constant 0 : index
    %swap3A_59 = arith.constant 0 : index
    %swap3A_60 = vector.load %arg10[%swap3A, %swap3A_59] : memref<1280x128xf32, #tpu.memory_space<vmem>>, vector<1280x128xf32>
    tpu.vector_store %arg10[%swap3A, %swap3A_59], %max3A_58 {strides = array<i32>} : memref<1280x128xf32, #tpu.memory_space<vmem>>, vector<1280x128xf32>,
    return
  }
  func.func @transform_0(%arg0: i32) -> (i32, i32) {
    %c0_i32 = arith.constant 0 : i32
    %c0_i32_0 = arith.constant 0 : i32
    return %arg0, %c0_i32 : i32, i32
  }
  func.func @transform_1(%arg0: i32) -> (i32, i32) {
    %c0_i32 = arith.constant 0 : i32
    %c0_i32_0 = arith.constant 0 : i32
    return %arg0, %c0_i32 : i32, i32
  }
  func.func @transform_2(%arg0: i32) -> (i32, i32) {
    %c0_i32 = arith.constant 0 : i32
    %c0_i32_0 = arith.constant 0 : i32
    return %arg0, %c0_i32 : i32, i32
  }
  func.func @transform_3(%arg0: i32) -> (i32, i32) {
    %c0_i32 = arith.constant 0 : i32
    %c0_i32_0 = arith.constant 0 : i32
    return %arg0, %c0_i32 : i32, i32
  }
  func.func @transform_4(%arg0: i32) -> (i32, i32) {
    %c0_i32 = arith.constant 0 : i32
    %c0_i32_0 = arith.constant 0 : i32
    return %arg0, %c0_i32 : i32, i32
  }
  func.func @transform_5(%arg0: i32) -> (i32, i32) {
    %c0_i32 = arith.constant 0 : i32
    %c0_i32_0 = arith.constant 0 : i32
    return %arg0, %c0_i32 : i32, i32
  }
  func.func @transform_6(%arg0: i32) -> (i32, i32) {
    %c0_i32 = arith.constant 0 : i32
    %c0_i32_0 = arith.constant 0 : i32
    %c0_i32_1 = arith.constant 0 : i32
    return %c0_i32, %c0_i32_0 : i32, i32
  }
  func.func @transform_7(%arg0: i32) -> (i32, i32) {
    %c0_i32 = arith.constant 0 : i32
    %c0_i32_0 = arith.constant 0 : i32
    %c0_i32_1 = arith.constant 0 : i32
    return %c0_i32, %c0_i32_0 : i32, i32
  }
  func.func @transform_8(%arg0: i32) -> (i32, i32) {
    %c0_i32 = arith.constant 0 : i32
    %c0_i32_0 = arith.constant 0 : i32
    %c0_i32_1 = arith.constant 0 : i32
    return %c0_i32, %c0_i32_0 : i32, i32
  }
  func.func @transform_9(%arg0: i32) -> (i32, i32) {
    %c0_i32 = arith.constant 0 : i32
    %c0_i32_0 = arith.constant 0 : i32
    return %arg0, %c0_i32 : i32, i32
  }
}

</mosaic_0001>

<sc_bundles>
// kernel: kernel.6.cloned.1.call-start
scs
__scs_entry_jumppad:
0x0: {  	(pc) =	sbr.rel $0x88, $3  }
0x1: {  	(tag) =	ssettag $0x0;
	lr =	simm.s32 $0x1  }
0x2: {  	[smem:$0x3F9B] =	sst lr;
	_ =	strace $0xD0000000  }
0x3: {  	_ = 	snop  }
0x4: {  	_ = 	snop  }
0x5: {  	_ = 	snop  }
0x6: {  	_ = 	snop  }
0x7: {  	_ = 	snop  }
__scs_overlays_trampoline_lowered:
0x8: {  	[smem:$0x3FAA] =	sst s0  }
0x9: {  	[smem:$0x3FAB] =	sst s1  }
0xa: {  	[smem:$0x3FAC] =	sst s2  }
0xb: {  	[smem:$0x3FAD] =	sst s3  }
0xc: {  	[smem:$0x3FAE] =	sst s4  }
0xd: {  	[smem:$0x3FAF] =	sst s5  }
0xe: {  	[smem:$0x3FB0] =	sst s6  }
0xf: {  	[smem:$0x3FB1] =	sst s7  }
0x10: {  	[smem:$0x3FB2] =	sst s8  }
0x11: {  	[smem:$0x3FB3] =	sst s9;
	s0 =	simm.s32 @!p0 $0x0  }
0x12: {  	s1 =	sld [smem:$0x3F99];
	s0 =	simm.s32 @p0 $0x1  }
0x13: {  	[smem:$0x3FB4] =	sst s0;
	s0 =	simm.s32 @!p1 $0x0  }
0x14: {  	s2 =	sld [smem:$0x3F98];
	s0 =	simm.s32 @p1 $0x1  }
0x15: {  	[smem:$0x3FB5] =	sst s0;
	s0 =	simm.s32 @!p2 $0x0  }
0x16: {  	s3 =	sld [smem:$0x3FDB];
	s0 =	simm.s32 @p2 $0x1  }
0x17: {  	s4 =	simm.s32 $0x1BF5;
	[smem:$0x3FB7] =	sst s0  }
0x18: {  	s0 =	sld [smem:$0x3F9A];
	_ =	swait.ge [sflag:s4], $0x0  }
0x19: {  	s7 =	sld [smem:$0x3F9B]  }
0x1a: {  	s8 =	sadd.s32 $0xFFFFE003, lr  }
0x1b: {  	s9 =	sadd.s32 $0xFFFFFEF7, lr;
	s5 =	simm.s32 $0xFFFFFFFF;
	p2 =	slt.u32 s8, $0xFFFFF086  }
0x1c: {  	p1 =	slt.u32 s9, $0xF7A;
	s5 =	simm.s32 @!p2 $0x0  }
0x1d: {  	s5 =	simm.s32 @p1 $0x1;
	p0 =	seq.s32 s7, s2  }
0x1e: {  	s7 =	smul.u32 @!p0 $0xF7A, s2;
	p2 =	seq.s32 @!p0 s5, $0x0  }
0x1f: {  	s9 =	smul.u32 $0xF7A, s1;
	s8 =	simm.s32 @!p0 $0x1BF5;
	p2 =	por !p2, p0  }
0x20: {  	[sflag:s8] =	ssyncset.s32 @!p0 $0xFFFFF086;
	s6 =	sadd.s32 @!p0 s3, s7;
	s7 =	simm.s32 @!p0 $0x108  }
0x21: {  	s3 =	sadd.s32 s3, s9;
	s6 =	sadd.s32 @!p0 $0x88, s6;
	s7 =	simm.s32 @p2 $0x1082  }
0x22: {  	[simem:s7], [sflag:s8] =	dma.local @!p0 [hbm:s6], $0xF7A  }
0x23: {  	s9 =	sor.u32 $0xD0000000, s2;
	s6 =	simm.s32 $0x108;
	_ =	swait.ge @!p0 [sflag:s8], $0x0  }
0x24: {  	s3 =	sadd.s32 $0x88, s3;
	s6 =	simm.s32 @!p1 $0x1082;
	[sflag:s4] =	ssyncset.s32 $0xFFFFF086  }
0x25: {  	[simem:s6], [sflag:s4] =	dma.local [hbm:s3], $0xF7A  }
0x26: {  	[smem:$0x3F9B] =	sst s1;
	(tag) =	ssettag s2;
	_ =	strace s9  }
0x27: {  	s1 =	sld [smem:$0x3FAB]  }
0x28: {  	s2 =	sld [smem:$0x3FAC]  }
0x29: {  	s4 =	sld [smem:$0x3FAE]  }
0x2a: {  	p0 =	seq.s32 s5, $0x0;
	s5 =	sld [smem:$0x3FAF]  }
0x2b: {  	s6 =	sld [smem:$0x3FB0]  }
0x2c: {  	s7 =	sld [smem:$0x3FB1]  }
0x2d: {  	s3 =	simm.s32 $0x108;
	s8 =	sld [smem:$0x3FB2]  }
0x2e: {  	s3 =	simm.s32 @!p0 $0x1082;
	s9 =	sld [smem:$0x3FB3]  }
0x2f: {  	lr =	sadd.s32 s0, s3;
	s0 =	sld [smem:$0x3FAA]  }
0x30: {  	s3 =	sld [smem:$0x3FAD]  }
0x31: {  	[smem:$0x3FB6] =	sst s10  }
0x32: {  	s10 =	sld [smem:$0x3FB4];
	_ =	sdelay $0x3  }
0x33: {  	p0 =	seq.s32 s10, $0x1;
	s10 =	sld [smem:$0x3FB6];
	_ =	sdelay $0x3  }
0x34: {  	[smem:$0x3FB6] =	sst s10  }
0x35: {  	s10 =	sld [smem:$0x3FB5];
	_ =	sdelay $0x3  }
0x36: {  	p1 =	seq.s32 s10, $0x1;
	s10 =	sld [smem:$0x3FB6];
	_ =	sdelay $0x3  }
0x37: {  	[smem:$0x3FB6] =	sst s10  }
0x38: {  	s10 =	sld [smem:$0x3FB7]  }
0x39: {  	_ = 	snop;
	(pc) =	sbr.ind lr, $3  }
0x3a: {  	_ = 	snop  }
0x3b: {  	_ = 	snop  }
0x3c: {  	p2 =	seq.s32 s10, $0x1;
	s10 =	sld [smem:$0x3FB6]  }
0x3d: {  	_ =	shalt  }
0x3e: {  	_ =	shalt  }
0x3f: {  	_ =	shalt  }
0x40: {  	_ =	shalt  }
0x41: {  	_ =	shalt  }
0x42: {  	_ =	shalt  }
0x43: {  	_ =	shalt  }
0x44: {  	_ =	shalt  }
0x45: {  	_ =	shalt  }
0x46: {  	_ =	shalt  }
0x47: {  	_ =	shalt  }
0x48: {  	_ =	shalt  }
0x49: {  	_ =	shalt  }
0x4a: {  	_ =	shalt  }
0x4b: {  	_ =	shalt  }
0x4c: {  	_ =	shalt  }
0x4d: {  	_ =	shalt  }
0x4e: {  	_ =	shalt  }
0x4f: {  	_ =	shalt  }
0x50: {  	_ =	shalt  }
0x51: {  	_ =	shalt  }
0x52: {  	_ =	shalt  }
0x53: {  	_ =	shalt  }
0x54: {  	_ =	shalt  }
0x55: {  	_ =	shalt  }
0x56: {  	_ =	shalt  }
0x57: {  	_ =	shalt  }
0x58: {  	_ =	shalt  }
0x59: {  	_ =	shalt  }
0x5a: {  	_ =	shalt  }
0x5b: {  	_ =	shalt  }
0x5c: {  	_ =	shalt  }
0x5d: {  	_ =	shalt  }
0x5e: {  	_ =	shalt  }
0x5f: {  	_ =	shalt  }
0x60: {  	_ =	shalt  }
0x61: {  	_ =	shalt  }
0x62: {  	_ =	shalt  }
0x63: {  	_ =	shalt  }
0x64: {  	_ =	shalt  }
0x65: {  	_ =	shalt  }
0x66: {  	_ =	shalt  }
0x67: {  	_ =	shalt  }
0x68: {  	_ =	shalt  }
0x69: {  	_ =	shalt  }
0x6a: {  	_ =	shalt  }
0x6b: {  	_ =	shalt  }
0x6c: {  	_ =	shalt  }
0x6d: {  	_ =	shalt  }
0x6e: {  	_ =	shalt  }
0x6f: {  	_ =	shalt  }
0x70: {  	_ =	shalt  }
0x71: {  	_ =	shalt  }
0x72: {  	_ =	shalt  }
0x73: {  	_ =	shalt  }
0x74: {  	_ =	shalt  }
0x75: {  	_ =	shalt  }
0x76: {  	_ =	shalt  }
0x77: {  	_ =	shalt  }
0x78: {  	_ =	shalt  }
0x79: {  	_ =	shalt  }
0x7a: {  	_ =	shalt  }
0x7b: {  	_ =	shalt  }
0x7c: {  	_ =	shalt  }
0x7d: {  	_ =	shalt  }
0x7e: {  	_ =	shalt  }
0x7f: {  	_ =	shalt  }
0x80: {  	_ =	shalt  }
0x81: {  	_ =	shalt  }
0x82: {  	_ =	shalt  }
0x83: {  	_ =	shalt  }
0x84: {  	_ =	shalt  }
0x85: {  	_ =	shalt  }
0x86: {  	_ =	shalt  }
0x87: {  	_ =	shalt  }
.Lfunc_end0:
.L_simem_size_0:
called_computation_lowered:
.L_overlay_start_0:
0x88: {  	s2 =	sld [smem:$0x3FD9]  }
0x89: {  	s3 =	sld [smem:$0x3FFE];
	_ =	sdelay $0x1  }
0x8a: {  	s1 =	srdreg.scid  }
0x8b: {  	s0 =	sand.u32 $0x1, s1  }
0x8c: {  	s16 =	sshll.u32 s0, $0xA;
	s2 =	sadd.s32 s3, s2  }
0x8d: {  	s2 =	sadd.s32 s2, s16  }
0x8e: {  	[smem:$0x3FC2] =	sst s2  }
0x8f: {  	_ = 	snop  }
0x90: {  	(tm) =	ssettm $0x1  }
0x91: {  	s17 =	sld [smem:$0x3FFB];
	_ =	sdelay $0x3  }
0x92: {  	_ =	strace s17  }
0x93: {  	s2 =	sld [smem:$0x3FFC];
	_ =	sdelay $0x3  }
0x94: {  	_ =	strace s2  }
0x95: {  	s2 =	sld [smem:$0x3FFD];
	_ =	sdelay $0x3  }
0x96: {  	_ =	strace s2  }
0x97: {  	_ =	strace $0x8FFFFFFF  }
0x98: {  	s18 =	sld [smem:$0x3FDB];
	_ =	sdelay $0x1  }
0x99: {  	s19 =	simm.s32 $_scs_section_size  }
0x9a: {  	s4 =	simm.s32 $_size__tile_overlayer_lowered;
	s5 =	simm.s32 $_tile_overlayer_lowered  }
0x9b: {  	s22 =	simm.s32 $0x1BFF;
	s21 =	sshll.u32 s5, $0x1;
	s2 =	sadd.s32 s19, s18  }
0x9c: {  	s6 =	simm.s32 $0x0;
	s20 =	sshll.u32 s4, $0x1;
	s4 =	sadd.s32 s21, s2  }
0x9d: {  	[timem:s6], [sflag:s22] =	dma.local [hbm:s4], s20  }
0x9e: {  	_ =	swait.ge [sflag:s22], s20  }
0x9f: {  	s3 =	ssub.s32 $0x0, s20;
	[sflag:s22] =	ssyncset.done $0x0  }
0xa0: {  	[sflag:s22] =	ssyncadd.s32 s3;
	_ =	sdelay $0x1  }
0xa1: {  	s23 =	simm.s32 $0x1B8B  }
0xa2: {  	_ =	swait.ge [sflag:s23], $0x1  }
0xa3: {  	[sflag:s23] =	ssyncset.done $0x0  }
0xa4: {  	s25 =	simm.s32 $0x1B8E;
	s24 =	sld [smem:$0x3FFE];
	[sflag:s23] =	ssyncadd.s32 $0xFFFFFFFF  }
0xa5: {  	s26 =	simm.s32 $execute0_lowered;
	[smem:$0x3FD2] =	sst s25  }
0xa6: {  	s4 =	sshll.u32 s26, $0x1;
	_ =	strace $0x80000046;
	[dreg:$0x1] =	wrdreg $0xFFFFFFFF  }
0xa7: {  	s28 =	simm.s32 $_size_execute0_lowered;
	s2 =	sadd.s32 s2, s4;
	[dreg:$0x0] =	wrdreg $0x0  }
0xa8: {  	s4 =	sshll.u32 s28, $0x1;
	[dreg:$0x2] =	wrdreg s2  }
0xa9: {  	[dreg:$0x3] =	wrdreg s4  }
0xaa: {  	[dreg:$0x4] =	wrdreg $0xC0  }
0xab: {  	_ =	task [dreg:s6], $0x5FFFF  }
0xac: {  	[dreg:$0x1] =	wrdreg $0xFFFFFFFF  }
0xad: {  	[dreg:$0x0] =	wrdreg $0x60  }
0xae: {  	[dreg:$0x2] =	wrdreg s24  }
0xaf: {  	[dreg:$0x3] =	wrdreg $0x0  }
0xb0: {  	[dreg:$0x4] =	wrdreg $0x9  }
0xb1: {  	_ =	task.clear_ibuf [dreg:s6], $0x5FFFF;
	_ =	strace $0x90000046  }
0xb2: {  	s29 =	simm.s32 $0x9;
	_ =	strace $0x80000048  }
0xb3: {  	_ =	swait.ge [sflag:s29], $0x1  }
0xb4: {  	[sflag:s29] =	ssyncadd.s32 $0xFFFFFFFF  }
0xb5: {  	_ =	strace $0x90000048  }
0xb6: {  	_ =	sfence  }
0xb7: {  	s30 =	sld [smem:$0x0];
	_ =	sdelay $0x2  }
0xb8: {  	s31 =	sshll.u32 s1, $0xD;
	s1 =	sshrl.u32 s1, $0x2  }
0xb9: {  	s3 =	sand.u32 $0x4000, s31;
	s1 =	sadd.s32 s1, s30  }
0xba: {  	s0 =	sor.u32 s3, s0;
	s1 =	sshll.u32 s1, $0x11  }
0xbb: {  	s0 =	sor.u32 s1, s0  }
0xbc: {  	s0 =	sadd.s32 $0x8F2B, s0  }
0xbd: {  	[sflag:s0] =	ssyncadd.remote.s32 $0x1  }
0xbe: {  	_ =	sfence.sel $0xFFFF  }
0xbf: {  	[dreg:$0x0] =	wrdreg $0xFFFFFFFF;
	(pc) =	sbr.abs _section_cstart, $3  }
0xc0: {  	[dreg:$0x1] =	wrdreg $0xFFFFFFFF  }
0xc1: {  	_ =	task.clear_ibuf [dreg:s6], $0x2FFFF;
	_ =	strace $0x9FFFFFFF  }
0xc2: {  	(tm) =	ssettm $0x7FFFFFFF  }
0xc3: {  	_ =	shalt  }
tec
execute0_lowered:
.L_overlay_start_1:
0x0: {  	(tag) =	ssettag $0x1  }
0x1: {  	s4 =	rddreg [dreg:$0x0];
	s0 =	srdreg.scid  }
0x2: {  	s2 =	rddreg [dreg:$0x1];
	s1 =	stileid.u32  }
0x3: {  	s3 =	simm.s32 $0x0;
	s12 =	simm.s32 $0xD200;
	s13 =	simm.s32 $0x2A80  }
0x4: {  	s15 =	simm.s32 $0x2;
	s6 =	sand.u32 $0x1, s0;
	s0 =	rddreg [dreg:$0x2]  }
0x5: {  	s16 =	simm.s32 $0x0;
	s7 =	smul.u32 $0x280, s1;
	[smem:$0x7FF] =	sst s3  }
0x6: {  	s14 =	sshll.u32 s1, $0x6;
	s5 =	sshll.u32 s6, $0x4;
	s8 =	ssub.s32 $0x2, s6  }
0x7: {  	_ =	strace $0x80000047;
	p0 =	seq.s32 s6, $0x1;
	s5 =	sor.u32 s1, s5  }
0x8: {  	s9 =	sshrl.u32 s7, $0x3;
	s10 =	sshrl.u32 s8, $0x1;
	s31 =	sadd.s32 s7, s2  }
0x9: {  	s12 =	simm.s32 @!p0 $0xD800;
	s5 =	smul.u32 $0x500, s5;
	s8 =	ssub.s32 s8, s10  }
0xa: {  	s9 =	sadd.s32 s9, s4;
	s10 =	simm.s32 $0x280;
	s7 =	smax.u32 s8, $0x1  }
0xb: {  	s8 =	sadd.s32 s12, s9;
	s12 =	simm.s32 $0x80;
	s11 =	sadd.s32 s5, s4  }
0xc: {  	s4 =	sadd.s32 $0xCC00, s9;
	s5 =	sor.u32 $0x1C01, s14;
	s9 =	sshrl.u32 s31, $0x3  }
0xd: {  	v0 =	vimm.f32 $1.000000000e+00;
	s14 =	sor.u32 $0x1C02, s14;
	s6 =	sadd.s32 $0x2C00, s11;
	s11 =	simm.s32 $0x1  }
.LBB2_1:
0xe: {  	[tilespmem:$0x2A80] =	vst v0  }
0xf: {  	[tilespmem:$0x2A90] =	vst v0  }
0x10: {  	[tilespmem:$0x2AA0] =	vst v0  }
0x11: {  	[tilespmem:$0x2AB0] =	vst v0  }
0x12: {  	[tilespmem:$0x2AC0] =	vst v0  }
0x13: {  	[tilespmem:$0x2AD0] =	vst v0  }
0x14: {  	[tilespmem:$0x2AE0] =	vst v0  }
0x15: {  	[tilespmem:$0x2AF0] =	vst v0  }
0x16: {  	[spmem:s9], [sflag:s5] =	dma.local [hbm:s4], $0x50  }
0x17: {  	[tilespmem:s10], [sflag:$0x1] =	stream.linear.gather [hbm4b:s6+s3], $0x2800, $0x38;
	[tilespmem:$0x2B00] =	vst v63  }
0x18: {  	_ =	swait.ge [sflag:s11], $0x50  }
0x19: {  	[sflag:s11] =	ssyncset.done $0x0  }
0x1a: {  	[sflag:s11] =	ssyncadd.s32 $0xFFFFFFB0  }
0x1b: {  	_ =	swait.ge [sflag:s11], $0x2800  }
0x1c: {  	[sflag:s11] =	ssyncset.done $0x0  }
0x1d: {  	[sflag:s11] =	ssyncadd.s32 $0xFFFFD800  }
0x1e: {  	s17 =	simm.s32 $0x0;
	[bflag:$0x0] =	sbarrier.arrive $0xFFFF  }
.LBB2_2:
0x1f: {  	p0 =	sne.s32 s17, $0x9E00  }
.Ltmp0:
0x20: {  	_ = 	snop;
	(pc) =	sbr.rel @p0 .LBB2_2-.Ltmp0, $4  }
0x21: {  	_ = 	snop  }
0x22: {  	s18 =	sshra.s32 s17, $0x2  }
0x23: {  	s17 =	sadd.s32 $0x200, s17;
	s18 =	sadd.s32 $0x280, s18  }
0x24: {  	[spmem:s2] =	stream.indirect.scatter.add.f32 [tilespmem:s13], [sflag:$0x1], $0x1, s18, s12, $0xb8;
	[tilespmem:$0x2B00] =	vst v63  }
0x25: {  	_ =	swait.ge [sflag:s11], $0x80  }
0x26: {  	s17 =	simm.s32 $0x4F;
	[sflag:s11] =	ssyncset.done $0x0  }
.LBB2_4:
0x27: {  	p0 =	sne.s32 s17, $0x1;
	s17 =	sadd.s32 $0xFFFFFFFF, s17;
	[sflag:s11] =	ssyncadd.s32 $0xFFFFFF80  }
.Ltmp1:
0x28: {  	(pc) =	sbr.rel @p0 .LBB2_4-.Ltmp1, $3  }
0x29: {  	_ =	sdelay $0x1  }
0x2a: {  	_ =	swait.ge [sflag:s11], $0x80  }
0x2b: {  	[sflag:s11] =	ssyncset.done $0x0  }
0x2c: {  	s16 =	sadd.s32 $0x1, s16  }
0x2d: {  	[sflag:s11] =	ssyncadd.s32 $0xFFFFFF80;
	p0 =	sne.s32 s16, s7  }
.Ltmp2:
0x2e: {  	[bflag:$0x0] =	sbarrier.arrive $0xFFFF;
	(pc) =	sbr.rel @p0 .LBB2_1-.Ltmp2, $4  }
0x2f: {  	[hbm:s8], [sflag:s14] =	dma.local [spmem:s9], $0x50  }
0x30: {  	_ =	swait.ge [sflag:s15], $0x50  }
0x31: {  	[sflag:s15] =	ssyncset.done $0x0  }
0x32: {  	[sflag:s15] =	ssyncadd.s32 $0xFFFFFFB0  }
0x33: {  	_ =	sfence.sel $0x180000  }
0x34: {  	[bflag:$0x0] =	sbarrier.arrive $0xFFFF  }
0x35: {  	p0 =	sne.s32 s1, $0x0;
	_ =	strace $0x90000047  }
0x36: {  	s0 =	sadd.s32 @!p0 $0x100000, s0;
	[bflag:$0x2] =	sbarrier.arrive $0xFFFF  }
0x37: {  	[sflag:s0] =	ssyncadd.tile.s32 @!p0 $0x1;
	_ =	shalt  }
.Lfunc_end2:
_tile_overlayer_lowered:
.L_overlay_start_2:
0x38: {  	(tag) =	ssettag $0x2  }
0x39: {  	s0 =	rddreg [dreg:$0x0];
	s2 =	stileid.u32  }
0x3a: {  	s1 =	rddreg [dreg:$0x1];
	p0 =	sne.s32 s2, $0x0  }
0x3b: {  	s3 =	rddreg [dreg:$0x2];
	[bflag:$0x3] =	sbarrier.arrive $0xFFFF;
	s2 =	simm.s32 @!p0 $0x1C02  }
0x3c: {  	[timem:s3], [sflag:s2] =	dma.local @!p0 [hbm:s0], s1  }
0x3d: {  	s0 =	simm.s32 @!p0 $0x2  }
0x3e: {  	_ =	swait.ge @!p0 [sflag:s0], s1  }
0x3f: {  	s1 =	ssub.s32 @!p0 $0x0, s1;
	[sflag:s0] =	ssyncset.done @!p0 $0x0  }
0x40: {  	[sflag:s0] =	ssyncadd.s32 @!p0 s1  }
0x41: {  	[bflag:$0x3] =	sbarrier.arrive $0xFFFF  }
0x42: {  	_ =	shalt  }

// kernel: kernel.9.cloned.1.call-start
scs
__scs_entry_jumppad:
0x0: {  	(pc) =	sbr.rel $0x88, $3  }
0x1: {  	(tag) =	ssettag $0x0;
	lr =	simm.s32 $0x1  }
0x2: {  	[smem:$0x3F9B] =	sst lr;
	_ =	strace $0xD0000000  }
0x3: {  	_ = 	snop  }
0x4: {  	_ = 	snop  }
0x5: {  	_ = 	snop  }
0x6: {  	_ = 	snop  }
0x7: {  	_ = 	snop  }
__scs_overlays_trampoline_lowered:
0x8: {  	[smem:$0x3FAA] =	sst s0  }
0x9: {  	[smem:$0x3FAB] =	sst s1  }
0xa: {  	[smem:$0x3FAC] =	sst s2  }
0xb: {  	[smem:$0x3FAD] =	sst s3  }
0xc: {  	[smem:$0x3FAE] =	sst s4  }
0xd: {  	[smem:$0x3FAF] =	sst s5  }
0xe: {  	[smem:$0x3FB0] =	sst s6  }
0xf: {  	[smem:$0x3FB1] =	sst s7  }
0x10: {  	[smem:$0x3FB2] =	sst s8  }
0x11: {  	[smem:$0x3FB3] =	sst s9;
	s0 =	simm.s32 @!p0 $0x0  }
0x12: {  	s1 =	sld [smem:$0x3F99];
	s0 =	simm.s32 @p0 $0x1  }
0x13: {  	[smem:$0x3FB4] =	sst s0;
	s0 =	simm.s32 @!p1 $0x0  }
0x14: {  	s2 =	sld [smem:$0x3F98];
	s0 =	simm.s32 @p1 $0x1  }
0x15: {  	[smem:$0x3FB5] =	sst s0;
	s0 =	simm.s32 @!p2 $0x0  }
0x16: {  	s3 =	sld [smem:$0x3FDB];
	s0 =	simm.s32 @p2 $0x1  }
0x17: {  	s4 =	simm.s32 $0x1BF5;
	[smem:$0x3FB7] =	sst s0  }
0x18: {  	s0 =	sld [smem:$0x3F9A];
	_ =	swait.ge [sflag:s4], $0x0  }
0x19: {  	s7 =	sld [smem:$0x3F9B]  }
0x1a: {  	s8 =	sadd.s32 $0xFFFFE003, lr  }
0x1b: {  	s9 =	sadd.s32 $0xFFFFFEF7, lr;
	s5 =	simm.s32 $0xFFFFFFFF;
	p2 =	slt.u32 s8, $0xFFFFF086  }
0x1c: {  	p1 =	slt.u32 s9, $0xF7A;
	s5 =	simm.s32 @!p2 $0x0  }
0x1d: {  	s5 =	simm.s32 @p1 $0x1;
	p0 =	seq.s32 s7, s2  }
0x1e: {  	s7 =	smul.u32 @!p0 $0xF7A, s2;
	p2 =	seq.s32 @!p0 s5, $0x0  }
0x1f: {  	s9 =	smul.u32 $0xF7A, s1;
	s8 =	simm.s32 @!p0 $0x1BF5;
	p2 =	por !p2, p0  }
0x20: {  	[sflag:s8] =	ssyncset.s32 @!p0 $0xFFFFF086;
	s6 =	sadd.s32 @!p0 s3, s7;
	s7 =	simm.s32 @!p0 $0x108  }
0x21: {  	s3 =	sadd.s32 s3, s9;
	s6 =	sadd.s32 @!p0 $0x88, s6;
	s7 =	simm.s32 @p2 $0x1082  }
0x22: {  	[simem:s7], [sflag:s8] =	dma.local @!p0 [hbm:s6], $0xF7A  }
0x23: {  	s9 =	sor.u32 $0xD0000000, s2;
	s6 =	simm.s32 $0x108;
	_ =	swait.ge @!p0 [sflag:s8], $0x0  }
0x24: {  	s3 =	sadd.s32 $0x88, s3;
	s6 =	simm.s32 @!p1 $0x1082;
	[sflag:s4] =	ssyncset.s32 $0xFFFFF086  }
0x25: {  	[simem:s6], [sflag:s4] =	dma.local [hbm:s3], $0xF7A  }
0x26: {  	[smem:$0x3F9B] =	sst s1;
	(tag) =	ssettag s2;
	_ =	strace s9  }
0x27: {  	s1 =	sld [smem:$0x3FAB]  }
0x28: {  	s2 =	sld [smem:$0x3FAC]  }
0x29: {  	s4 =	sld [smem:$0x3FAE]  }
0x2a: {  	p0 =	seq.s32 s5, $0x0;
	s5 =	sld [smem:$0x3FAF]  }
0x2b: {  	s6 =	sld [smem:$0x3FB0]  }
0x2c: {  	s7 =	sld [smem:$0x3FB1]  }
0x2d: {  	s3 =	simm.s32 $0x108;
	s8 =	sld [smem:$0x3FB2]  }
0x2e: {  	s3 =	simm.s32 @!p0 $0x1082;
	s9 =	sld [smem:$0x3FB3]  }
0x2f: {  	lr =	sadd.s32 s0, s3;
	s0 =	sld [smem:$0x3FAA]  }
0x30: {  	s3 =	sld [smem:$0x3FAD]  }
0x31: {  	[smem:$0x3FB6] =	sst s10  }
0x32: {  	s10 =	sld [smem:$0x3FB4];
	_ =	sdelay $0x3  }
0x33: {  	p0 =	seq.s32 s10, $0x1;
	s10 =	sld [smem:$0x3FB6];
	_ =	sdelay $0x3  }
0x34: {  	[smem:$0x3FB6] =	sst s10  }
0x35: {  	s10 =	sld [smem:$0x3FB5];
	_ =	sdelay $0x3  }
0x36: {  	p1 =	seq.s32 s10, $0x1;
	s10 =	sld [smem:$0x3FB6];
	_ =	sdelay $0x3  }
0x37: {  	[smem:$0x3FB6] =	sst s10  }
0x38: {  	s10 =	sld [smem:$0x3FB7]  }
0x39: {  	_ = 	snop;
	(pc) =	sbr.ind lr, $3  }
0x3a: {  	_ = 	snop  }
0x3b: {  	_ = 	snop  }
0x3c: {  	p2 =	seq.s32 s10, $0x1;
	s10 =	sld [smem:$0x3FB6]  }
0x3d: {  	_ =	shalt  }
0x3e: {  	_ =	shalt  }
0x3f: {  	_ =	shalt  }
0x40: {  	_ =	shalt  }
0x41: {  	_ =	shalt  }
0x42: {  	_ =	shalt  }
0x43: {  	_ =	shalt  }
0x44: {  	_ =	shalt  }
0x45: {  	_ =	shalt  }
0x46: {  	_ =	shalt  }
0x47: {  	_ =	shalt  }
0x48: {  	_ =	shalt  }
0x49: {  	_ =	shalt  }
0x4a: {  	_ =	shalt  }
0x4b: {  	_ =	shalt  }
0x4c: {  	_ =	shalt  }
0x4d: {  	_ =	shalt  }
0x4e: {  	_ =	shalt  }
0x4f: {  	_ =	shalt  }
0x50: {  	_ =	shalt  }
0x51: {  	_ =	shalt  }
0x52: {  	_ =	shalt  }
0x53: {  	_ =	shalt  }
0x54: {  	_ =	shalt  }
0x55: {  	_ =	shalt  }
0x56: {  	_ =	shalt  }
0x57: {  	_ =	shalt  }
0x58: {  	_ =	shalt  }
0x59: {  	_ =	shalt  }
0x5a: {  	_ =	shalt  }
0x5b: {  	_ =	shalt  }
0x5c: {  	_ =	shalt  }
0x5d: {  	_ =	shalt  }
0x5e: {  	_ =	shalt  }
0x5f: {  	_ =	shalt  }
0x60: {  	_ =	shalt  }
0x61: {  	_ =	shalt  }
0x62: {  	_ =	shalt  }
0x63: {  	_ =	shalt  }
0x64: {  	_ =	shalt  }
0x65: {  	_ =	shalt  }
0x66: {  	_ =	shalt  }
0x67: {  	_ =	shalt  }
0x68: {  	_ =	shalt  }
0x69: {  	_ =	shalt  }
0x6a: {  	_ =	shalt  }
0x6b: {  	_ =	shalt  }
0x6c: {  	_ =	shalt  }
0x6d: {  	_ =	shalt  }
0x6e: {  	_ =	shalt  }
0x6f: {  	_ =	shalt  }
0x70: {  	_ =	shalt  }
0x71: {  	_ =	shalt  }
0x72: {  	_ =	shalt  }
0x73: {  	_ =	shalt  }
0x74: {  	_ =	shalt  }
0x75: {  	_ =	shalt  }
0x76: {  	_ =	shalt  }
0x77: {  	_ =	shalt  }
0x78: {  	_ =	shalt  }
0x79: {  	_ =	shalt  }
0x7a: {  	_ =	shalt  }
0x7b: {  	_ =	shalt  }
0x7c: {  	_ =	shalt  }
0x7d: {  	_ =	shalt  }
0x7e: {  	_ =	shalt  }
0x7f: {  	_ =	shalt  }
0x80: {  	_ =	shalt  }
0x81: {  	_ =	shalt  }
0x82: {  	_ =	shalt  }
0x83: {  	_ =	shalt  }
0x84: {  	_ =	shalt  }
0x85: {  	_ =	shalt  }
0x86: {  	_ =	shalt  }
0x87: {  	_ =	shalt  }
.Lfunc_end0:
.L_simem_size_0:
called_computation.1_lowered:
.L_overlay_start_0:
0x88: {  	s2 =	sld [smem:$0x3FD9]  }
0x89: {  	s3 =	sld [smem:$0x3FFE];
	_ =	sdelay $0x1  }
0x8a: {  	s1 =	srdreg.scid  }
0x8b: {  	s0 =	sand.u32 $0x1, s1  }
0x8c: {  	s17 =	sshll.u32 s0, $0xA;
	s2 =	sadd.s32 s3, s2  }
0x8d: {  	s2 =	sadd.s32 s2, s17  }
0x8e: {  	[smem:$0x3FC2] =	sst s2  }
0x8f: {  	_ = 	snop  }
0x90: {  	s2 =	sld [smem:$0x3FD0];
	(tm) =	ssettm $0x1  }
0x91: {  	s18 =	sld [smem:$0x3FFB];
	_ =	sdelay $0x3  }
0x92: {  	_ =	strace s18  }
0x93: {  	s3 =	sld [smem:$0x3FFC];
	_ =	sdelay $0x3  }
0x94: {  	_ =	strace s3  }
0x95: {  	s3 =	sld [smem:$0x3FFD];
	_ =	sdelay $0x3  }
0x96: {  	_ =	strace s3  }
0x97: {  	_ =	strace $0x8FFFFFFF  }
0x98: {  	s19 =	sld [smem:$0x3FDB];
	_ =	sdelay $0x1  }
0x99: {  	s4 =	simm.s32 $_scs_section_size  }
0x9a: {  	s5 =	simm.s32 $_size__tile_overlayer_lowered;
	s6 =	simm.s32 $_tile_overlayer_lowered  }
0x9b: {  	s22 =	simm.s32 $0x1BFF;
	s21 =	sshll.u32 s6, $0x1;
	s3 =	sadd.s32 s4, s19  }
0x9c: {  	s7 =	simm.s32 $0x0;
	s20 =	sshll.u32 s5, $0x1;
	s5 =	sadd.s32 s21, s3  }
0x9d: {  	[timem:s7], [sflag:s22] =	dma.local [hbm:s5], s20  }
0x9e: {  	_ =	swait.ge [sflag:s22], s20  }
0x9f: {  	s4 =	ssub.s32 $0x0, s20;
	[sflag:s22] =	ssyncset.done $0x0  }
0xa0: {  	[sflag:s22] =	ssyncadd.s32 s4;
	_ =	sdelay $0x1  }
0xa1: {  	s23 =	simm.s32 $0x1B8B  }
0xa2: {  	_ =	swait.ge [sflag:s23], $0x1  }
0xa3: {  	[sflag:s23] =	ssyncset.done $0x0  }
0xa4: {  	s25 =	simm.s32 $0x1B8E;
	s24 =	sld [smem:$0x3FFE];
	[sflag:s23] =	ssyncadd.s32 $0xFFFFFFFF  }
0xa5: {  	s26 =	simm.s32 $execute0_lowered;
	[smem:$0x3FD2] =	sst s25  }
0xa6: {  	s5 =	sshll.u32 s26, $0x1;
	_ =	strace $0x80000049;
	[dreg:$0x1] =	wrdreg $0xFFFFFFFF  }
0xa7: {  	s28 =	simm.s32 $_size_execute0_lowered;
	s3 =	sadd.s32 s3, s5;
	[dreg:$0x0] =	wrdreg $0x0  }
0xa8: {  	s5 =	sshll.u32 s28, $0x1;
	[dreg:$0x2] =	wrdreg s3  }
0xa9: {  	[dreg:$0x3] =	wrdreg s5  }
0xaa: {  	[dreg:$0x4] =	wrdreg $0xC0  }
0xab: {  	_ =	task [dreg:s7], $0x5FFFF  }
0xac: {  	[dreg:$0x1] =	wrdreg $0xFFFFFFFF  }
0xad: {  	[dreg:$0x0] =	wrdreg $0x60  }
0xae: {  	[dreg:$0x2] =	wrdreg s24  }
0xaf: {  	[dreg:$0x3] =	wrdreg s2  }
0xb0: {  	[dreg:$0x4] =	wrdreg $0x0  }
0xb1: {  	[dreg:$0x5] =	wrdreg $0x9  }
0xb2: {  	_ =	task.clear_ibuf [dreg:s7], $0x6FFFF;
	_ =	strace $0x90000049  }
0xb3: {  	s29 =	simm.s32 $0x9;
	_ =	strace $0x8000004B  }
0xb4: {  	_ =	swait.ge [sflag:s29], $0x1  }
0xb5: {  	[sflag:s29] =	ssyncadd.s32 $0xFFFFFFFF  }
0xb6: {  	_ =	strace $0x9000004B  }
0xb7: {  	_ =	sfence  }
0xb8: {  	s30 =	sld [smem:$0x0];
	_ =	sdelay $0x2  }
0xb9: {  	s31 =	sshll.u32 s1, $0xD;
	s1 =	sshrl.u32 s1, $0x2  }
0xba: {  	s3 =	sand.u32 $0x4000, s31;
	s1 =	sadd.s32 s1, s30  }
0xbb: {  	s0 =	sor.u32 s3, s0;
	s1 =	sshll.u32 s1, $0x11  }
0xbc: {  	s0 =	sor.u32 s1, s0  }
0xbd: {  	s0 =	sadd.s32 $0x8F2B, s0  }
0xbe: {  	[sflag:s0] =	ssyncadd.remote.s32 $0x1  }
0xbf: {  	_ =	sfence.sel $0xFFFF  }
0xc0: {  	[dreg:$0x0] =	wrdreg $0xFFFFFFFF;
	(pc) =	sbr.abs _section_cstart, $3  }
0xc1: {  	[dreg:$0x1] =	wrdreg $0xFFFFFFFF  }
0xc2: {  	_ =	task.clear_ibuf [dreg:s7], $0x2FFFF;
	_ =	strace $0x9FFFFFFF  }
0xc3: {  	(tm) =	ssettm $0x7FFFFFFF  }
tec
execute0_lowered:
.L_overlay_start_1:
0x0: {  	(tag) =	ssettag $0x1  }
0x1: {  	s1 =	rddreg [dreg:$0x0]  }
0x2: {  	s0 =	srdreg.scid;
	s2 =	rddreg [dreg:$0x1]  }
0x3: {  	s11 =	stileid.u32;
	s3 =	rddreg [dreg:$0x2]  }
0x4: {  	s29 =	simm.s32 $0x18A00;
	s30 =	simm.s32 $0x16900;
	s28 =	simm.s32 $0x9  }
0x5: {  	s31 =	simm.s32 $0xA;
	s15 =	simm.s32 $0x0;
	s10 =	smul.u32 $0x50000, s11  }
0x6: {  	s0 =	sand.u32 $0x1, s0;
	s16 =	sshll.u32 s11, $0x7;
	s18 =	smul.u32 $0x2800, s11  }
0x7: {  	s12 =	sshll.u32 s11, $0x6;
	s21 =	smul.u32 $0xA00, s11;
	s4 =	sshll.u32 s0, $0x4  }
0x8: {  	s8 =	sand.u32 $0x380, s16;
	s17 =	ssub.s32 $0x2, s0;
	s20 =	smul.u32 $0xA000, s0  }
0x9: {  	p0 =	seq.s32 s0, $0x1;
	s0 =	simm.s32 $0xDFE00;
	s6 =	sor.u32 s11, s4  }
0xa: {  	s4 =	simm.s32 $0x0;
	s9 =	sshrl.u32 s17, $0x1;
	s10 =	sshrl.u32 s10, $0x2  }
0xb: {  	s0 =	simm.s32 @!p0 $0xB7E00;
	s11 =	simm.s32 $0x6;
	s5 =	sshrl.u32 s6, $0x3  }
0xc: {  	[smem:$0x7FF] =	sst s4;
	s6 =	smul.u32 $0xA00, s6;
	s10 =	sadd.s32 s10, s3  }
0xd: {  	s0 =	sadd.s32 s0, s1;
	s25 =	sadd.s32 s21, s20;
	s21 =	simm.s32 $0x1  }
0xe: {  	s7 =	smul.u32 $0x14000, s5;
	_ =	strace $0x8000004A;
	s5 =	sadd.s32 $0x8FE00, s1  }
0xf: {  	[dreg:$0x4] =	wrdreg s12;
	s12 =	sor.u32 $0x1C01, s12;
	s0 =	sadd.s32 s0, s18  }
0x10: {  	s16 =	sor.u32 $0x40, s25;
	s25 =	simm.s32 $0x16A00;
	[dreg:$0x6] =	wrdreg s12  }
0x11: {  	s13 =	sadd.s32 s5, s18;
	s19 =	sadd.s32 s2, s6;
	[dreg:$0xd] =	wrdreg s0  }
0x12: {  	s0 =	simm.s32 $0x16980;
	s18 =	simm.s32 $0xB;
	s6 =	simm.s32 $0x5  }
0x13: {  	s12 =	simm.s32 $0x7;
	s7 =	sor.u32 s8, s7;
	s8 =	ssub.s32 s17, s9  }
0x14: {  	[dreg:$0x5] =	wrdreg s13;
	s22 =	sadd.s32 $0x10, s19;
	s23 =	sadd.s32 $0x20, s19  }
0x15: {  	[dreg:$0x8] =	wrdreg s19;
	s24 =	sadd.s32 $0x30, s19;
	s17 =	sshrl.u32 s10, $0x3  }
0x16: {  	s19 =	simm.s32 $0x1CA00;
	s9 =	simm.s32 $0x4;
	[dreg:$0x9] =	wrdreg s22  }
0x17: {  	s13 =	simm.s32 $0x8;
	s7 =	sshrl.u32 s7, $0x3;
	[dreg:$0xa] =	wrdreg s23  }
.Ltmp0:
0x18: {  	[dreg:$0xb] =	wrdreg s24;
	s26 =	smax.u32 s8, $0x1;
	(pc) =	sbr.rel .LBB2_1-.Ltmp0, $4  }
0x19: {  	s22 =	simm.s32 $0x2;
	s23 =	simm.s32 $0x16800;
	s24 =	simm.s32 $0x40  }
0x1a: {  	s8 =	simm.s32 $0xC;
	[dreg:$0xe] =	wrdreg s17;
	s7 =	sadd.s32 s7, s1  }
0x1b: {  	[dreg:$0xc] =	wrdreg s26;
	s26 =	simm.s32 $0x16880;
	s7 =	sadd.s32 $0xDE00, s7  }
0x1c: {  	s1 =	simm.s32 $0x1AA00;
	[dreg:$0x7] =	wrdreg s7;
	s7 =	simm.s32 $0x3  }
.LBB2_3:
0x1d: {  	_ =	swait.ge [sflag:s11], $0x2000  }
0x1e: {  	[sflag:s11] =	ssyncset.done $0x0  }
0x1f: {  	[sflag:s11] =	ssyncadd.s32 $0xFFFFE000  }
0x20: {  	_ =	swait.ge [sflag:s12], $0x2000  }
0x21: {  	[sflag:s12] =	ssyncset.done $0x0  }
0x22: {  	[sflag:s12] =	ssyncadd.s32 $0xFFFFE000  }
0x23: {  	_ =	swait.ge [sflag:s13], $0x2000  }
0x24: {  	[sflag:s13] =	ssyncset.done $0x0  }
0x25: {  	[sflag:s13] =	ssyncadd.s32 $0xFFFFE000  }
.LBB2_5:
0x26: {  	[bflag:$0x0] =	sbarrier.arrive $0xFFFF  }
0x27: {  	s10 =	rddreg [dreg:$0x4]  }
0x28: {  	s14 =	rddreg [dreg:$0xd]  }
0x29: {  	s17 =	rddreg [dreg:$0xe];
	s10 =	sor.u32 $0x1C0D, s10  }
0x2a: {  	[hbm:s14], [sflag:s10] =	dma.local [spmem:s17], $0x2800  }
0x2b: {  	s14 =	simm.s32 $0xD  }
0x2c: {  	_ =	swait.ge [sflag:s14], $0x2800  }
0x2d: {  	s15 =	sadd.s32 $0x1, s15;
	s20 =	rddreg [dreg:$0xc]  }
0x2e: {  	p0 =	sne.s32 s15, s20  }
.Ltmp1:
0x2f: {  	_ = 	snop;
	(pc) =	sbr.rel @!p0 .LBB2_6-.Ltmp1, $3  }
0x30: {  	_ =	sdelay $0x1  }
0x31: {  	[sflag:s14] =	ssyncset.done $0x0  }
0x32: {  	[sflag:s14] =	ssyncadd.s32 $0xFFFFD800  }
.LBB2_1:
0x33: {  	s10 =	rddreg [dreg:$0x5]  }
0x34: {  	s14 =	rddreg [dreg:$0x6];
	s20 =	simm.s32 $0x14000  }
0x35: {  	[spmem:s17], [sflag:s14] =	dma.local [hbm:s10], $0x2800  }
0x36: {  	s14 =	simm.s32 $0x80;
	s17 =	simm.s32 $0x400;
	s10 =	rddreg [dreg:$0x7]  }
0x37: {  	[tilespmem:s20], [sflag:$0x2] =	stream.strided.gather [hbm4b:s10+s14], $0x2800, s17, s14, $0x38;
	[tilespmem:$0x1EA00] =	vst v63  }
0x38: {  	_ =	swait.ge [sflag:s21], $0x2800  }
0x39: {  	[sflag:s21] =	ssyncset.done $0x0  }
0x3a: {  	[sflag:s21] =	ssyncadd.s32 $0xFFFFD800  }
0x3b: {  	_ =	swait.ge [sflag:s22], $0x2800  }
0x3c: {  	[sflag:s22] =	ssyncset.done $0x0  }
0x3d: {  	[sflag:s22] =	ssyncadd.s32 $0xFFFFD800  }
0x3e: {  	[bflag:$0x0] =	sbarrier.arrive $0xFFFF  }
0x3f: {  	s17 =	rddreg [dreg:$0x8]  }
0x40: {  	[tilespmem:s23], [sflag:$0x9] =	stream.linear.gather [hbm4b:s17+s4], $0x80, $0x38;
	[tilespmem:$0x1EA00] =	vst v63  }
0x41: {  	_ = 	snop  }
0x42: {  	[tilespmem:s25], [sflag:$0x1] =	stream.indirect.gather [hbm4b:s5+s24], $0x80, s20, s24, $0xb8;
	[tilespmem:$0x1EA00] =	vst v63  }
0x43: {  	s14 =	rddreg [dreg:$0x9]  }
0x44: {  	[tilespmem:s26], [sflag:$0xA] =	stream.linear.gather [hbm4b:s14+s4], $0x80, $0x38;
	[tilespmem:$0x1EA00] =	vst v63  }
0x45: {  	s17 =	simm.s32 $0x14040  }
0x46: {  	[tilespmem:s29], [sflag:$0x2] =	stream.indirect.gather [hbm4b:s5+s24], $0x80, s17, s24, $0xb8;
	[tilespmem:$0x1EA00] =	vst v63  }
0x47: {  	s20 =	rddreg [dreg:$0xa]  }
0x48: {  	[tilespmem:s30], [sflag:$0xB] =	stream.linear.gather [hbm4b:s20+s4], $0x80, $0x38;
	[tilespmem:$0x1EA00] =	vst v63  }
0x49: {  	s14 =	simm.s32 $0x14080  }
0x4a: {  	[tilespmem:s1], [sflag:$0x3] =	stream.indirect.gather [hbm4b:s5+s24], $0x80, s14, s24, $0xb8;
	[tilespmem:$0x1EA00] =	vst v63  }
0x4b: {  	s17 =	rddreg [dreg:$0xb]  }
0x4c: {  	[tilespmem:s0], [sflag:$0xC] =	stream.linear.gather [hbm4b:s17+s4], $0x80, $0x38;
	[tilespmem:$0x1EA00] =	vst v63  }
0x4d: {  	s20 =	simm.s32 $0x140C0  }
0x4e: {  	[tilespmem:s19], [sflag:$0x4] =	stream.indirect.gather [hbm4b:s5+s24], $0x80, s20, s24, $0xb8;
	[tilespmem:$0x1EA00] =	vst v63  }
0x4f: {  	s10 =	simm.s32 $0x14100;
	s20 =	simm.s32 $0x70  }
.LBB2_2:
0x50: {  	_ =	swait.ge [sflag:s28], $0x80  }
0x51: {  	[sflag:s28] =	ssyncset.done $0x0  }
0x52: {  	[sflag:s28] =	ssyncadd.s32 $0xFFFFFF80  }
0x53: {  	_ =	swait.ge [sflag:s21], $0x2000  }
0x54: {  	[sflag:s21] =	ssyncset.done $0x0  }
0x55: {  	[sflag:s21] =	ssyncadd.s32 $0xFFFFE000  }
0x56: {  	[spmem:s3] =	stream.indirect.scatter.add.f32 [tilespmem:s25], [sflag:$0x5], $0x80, s23, s24, $0xb8;
	[tilespmem:$0x1EA00] =	vst v63  }
0x57: {  	_ =	swait.ge [sflag:s31], $0x80  }
0x58: {  	[sflag:s31] =	ssyncset.done $0x0  }
0x59: {  	[sflag:s31] =	ssyncadd.s32 $0xFFFFFF80  }
0x5a: {  	_ =	swait.ge [sflag:s22], $0x2000  }
0x5b: {  	[sflag:s22] =	ssyncset.done $0x0  }
0x5c: {  	[sflag:s22] =	ssyncadd.s32 $0xFFFFE000  }
0x5d: {  	[spmem:s3] =	stream.indirect.scatter.add.f32 [tilespmem:s29], [sflag:$0x6], $0x80, s26, s24, $0xb8;
	[tilespmem:$0x1EA00] =	vst v63  }
0x5e: {  	_ =	swait.ge [sflag:s18], $0x80  }
0x5f: {  	[sflag:s18] =	ssyncset.done $0x0  }
0x60: {  	[sflag:s18] =	ssyncadd.s32 $0xFFFFFF80  }
0x61: {  	_ =	swait.ge [sflag:s7], $0x2000  }
0x62: {  	[sflag:s7] =	ssyncset.done $0x0  }
0x63: {  	[sflag:s7] =	ssyncadd.s32 $0xFFFFE000  }
0x64: {  	[spmem:s3] =	stream.indirect.scatter.add.f32 [tilespmem:s1], [sflag:$0x7], $0x80, s30, s24, $0xb8;
	[tilespmem:$0x1EA00] =	vst v63  }
0x65: {  	_ =	swait.ge [sflag:s8], $0x80  }
0x66: {  	[sflag:s8] =	ssyncset.done $0x0  }
0x67: {  	[sflag:s8] =	ssyncadd.s32 $0xFFFFFF80  }
0x68: {  	_ =	swait.ge [sflag:s9], $0x2000  }
0x69: {  	p0 =	sne.s32 s20, $0xA30;
	[sflag:s9] =	ssyncset.done $0x0  }
.Ltmp2:
0x6a: {  	[sflag:s9] =	ssyncadd.s32 $0xFFFFE000;
	(pc) =	sbr.rel @!p0 .LBB2_3-.Ltmp2, $4  }
0x6b: {  	[spmem:s3] =	stream.indirect.scatter.add.f32 [tilespmem:s19], [sflag:$0x8], $0x80, s0, s24, $0xb8;
	[tilespmem:$0x1EA00] =	vst v63  }
0x6c: {  	_ =	swait.ge [sflag:s6], $0x2000  }
0x6d: {  	[sflag:s6] =	ssyncset.done $0x0  }
0x6e: {  	[sflag:s6] =	ssyncadd.s32 $0xFFFFE000  }
0x6f: {  	s14 =	sadd.s32 s20, s16;
	s17 =	sadd.s32 $0xFFFFFFD0, s20  }
0x70: {  	s14 =	sadd.s32 $0xFFFFFF90, s14;
	s17 =	sand.u32 $0x40, s17  }
0x71: {  	s14 =	sand.u32 $0xFFFFF80, s14;
	s17 =	sadd.s32 s2, s17  }
0x72: {  	s17 =	sadd.s32 s14, s17  }
0x73: {  	[tilespmem:s23], [sflag:$0x9] =	stream.linear.gather [hbm4b:s17+s4], $0x80, $0x38;
	[tilespmem:$0x1EA00] =	vst v63  }
0x74: {  	s17 =	sadd.s32 $0xFFFFFFE0, s20  }
0x75: {  	[tilespmem:s25], [sflag:$0x1] =	stream.indirect.gather [hbm4b:s5+s24], $0x80, s10, s24, $0xb8;
	[tilespmem:$0x1EA00] =	vst v63  }
0x76: {  	s17 =	sand.u32 $0x50, s17;
	_ =	swait.ge [sflag:s11], $0x2000  }
0x77: {  	s17 =	sadd.s32 s2, s17;
	[sflag:s11] =	ssyncset.done $0x0  }
0x78: {  	s17 =	sadd.s32 s14, s17;
	[sflag:s11] =	ssyncadd.s32 $0xFFFFE000  }
0x79: {  	[tilespmem:s26], [sflag:$0xA] =	stream.linear.gather [hbm4b:s17+s4], $0x80, $0x38;
	[tilespmem:$0x1EA00] =	vst v63  }
0x7a: {  	s17 =	sadd.s32 $0x40, s10  }
0x7b: {  	[tilespmem:s29], [sflag:$0x2] =	stream.indirect.gather [hbm4b:s5+s24], $0x80, s17, s24, $0xb8;
	[tilespmem:$0x1EA00] =	vst v63  }
0x7c: {  	s17 =	sadd.s32 $0xFFFFFFF0, s20  }
0x7d: {  	_ =	swait.ge [sflag:s12], $0x2000;
	s17 =	sand.u32 $0x60, s17  }
0x7e: {  	[sflag:s12] =	ssyncset.done $0x0;
	s17 =	sadd.s32 s2, s17  }
0x7f: {  	[sflag:s12] =	ssyncadd.s32 $0xFFFFE000;
	s17 =	sadd.s32 s14, s17  }
0x80: {  	[tilespmem:s30], [sflag:$0xB] =	stream.linear.gather [hbm4b:s17+s4], $0x80, $0x38;
	[tilespmem:$0x1EA00] =	vst v63  }
0x81: {  	s17 =	sadd.s32 $0x80, s10  }
0x82: {  	[tilespmem:s1], [sflag:$0x3] =	stream.indirect.gather [hbm4b:s5+s24], $0x80, s17, s24, $0xb8;
	[tilespmem:$0x1EA00] =	vst v63  }
0x83: {  	s17 =	sand.u32 $0x70, s20;
	s20 =	sadd.s32 $0x40, s20  }
0x84: {  	_ =	swait.ge [sflag:s13], $0x2000;
	p0 =	sne.s32 s20, $0xA70  }
.Ltmp3:
0x85: {  	s17 =	sadd.s32 s2, s17;
	[sflag:s13] =	ssyncset.done $0x0;
	(pc) =	sbr.rel @p0 .LBB2_2-.Ltmp3, $4  }
.Ltmp4:
0x86: {  	s14 =	sadd.s32 s14, s17;
	[sflag:s13] =	ssyncadd.s32 $0xFFFFE000;
	(pc) =	sbr.rel @!p0 .LBB2_5-.Ltmp4, $4  }
0x87: {  	[tilespmem:s0], [sflag:$0xC] =	stream.linear.gather [hbm4b:s14+s4], $0x80, $0x38;
	[tilespmem:$0x1EA00] =	vst v63  }
0x88: {  	s17 =	sadd.s32 $0xC0, s10;
	s10 =	sadd.s32 $0x100, s10  }
0x89: {  	[tilespmem:s19], [sflag:$0x4] =	stream.indirect.gather [hbm4b:s5+s24], $0x80, s17, s24, $0xb8;
	[tilespmem:$0x1EA00] =	vst v63  }
0x8a: {  	_ = 	snop  }
.LBB2_6:
0x8b: {  	_ =	sfence.sel $0x180000  }
0x8c: {  	[bflag:$0x0] =	sbarrier.arrive $0xFFFF  }
0x8d: {  	_ =	strace $0x9000004A  }
0x8e: {  	s0 =	stileid.u32;
	[bflag:$0x2] =	sbarrier.arrive $0xFFFF  }
0x8f: {  	p0 =	sne.s32 s0, $0x0;
	s0 =	rddreg [dreg:$0x3]  }
0x90: {  	s0 =	sadd.s32 @!p0 $0x100000, s0  }
0x91: {  	[sflag:s0] =	ssyncadd.tile.s32 @!p0 $0x1;
	_ =	shalt  }
.Lfunc_end2:
_tile_overlayer_lowered:
.L_overlay_start_2:
0x92: {  	(tag) =	ssettag $0x2  }
0x93: {  	s0 =	rddreg [dreg:$0x0];
	s2 =	stileid.u32  }
0x94: {  	s1 =	rddreg [dreg:$0x1];
	p0 =	sne.s32 s2, $0x0  }
0x95: {  	s3 =	rddreg [dreg:$0x2];
	[bflag:$0x3] =	sbarrier.arrive $0xFFFF;
	s2 =	simm.s32 @!p0 $0x1C0D  }
0x96: {  	[timem:s3], [sflag:s2] =	dma.local @!p0 [hbm:s0], s1  }
0x97: {  	s0 =	simm.s32 @!p0 $0xD  }
0x98: {  	_ =	swait.ge @!p0 [sflag:s0], s1  }
0x99: {  	s1 =	ssub.s32 @!p0 $0x0, s1;
	[sflag:s0] =	ssyncset.done @!p0 $0x0  }
0x9a: {  	[sflag:s0] =	ssyncadd.s32 @!p0 s1  }
0x9b: {  	[bflag:$0x3] =	sbarrier.arrive $0xFFFF  }
0x9c: {  	_ =	shalt  }

</sc_bundles>
